<compile_context>
chip_gen: v7x
topology: tpu7x:2x2x1
jax: 0.10.2.dev20260603
libtpu: 0.0.44.dev20260713+nightly
codegen_flags: <defaults>
</compile_context>

<pallas_src>
import functools

import jax
import jax.numpy as jnp
from jax import lax
from jax.experimental import pallas as pl
from jax.experimental.pallas import tpu as pltpu
from jax.experimental.pallas import tpu_sc as plsc

EMBEDDING_DIM = 64
PACKED_DIM = 2 * EMBEDDING_DIM
NUM_CORES = 2
NUM_SUBCORES = 16
NUM_WORKERS = NUM_CORES * NUM_SUBCORES
NSLOT = 5
CHUNK = 256
VB = 4096


def _row_major_table(wt):
    dim, vocab = wt.shape
    nblk = pl.cdiv(vocab, 2 * VB)
    hb = nblk * VB

    def body(lo_ref, hi_ref, o_ref):
        o_ref[...] = jnp.concatenate([lo_ref[...].T, hi_ref[...].T], axis=1)

    return pl.pallas_call(
        body,
        grid=(nblk,),
        in_specs=[
            pl.BlockSpec((dim, VB), lambda i: (0, i)),
            pl.BlockSpec(
                (dim, VB),
                lambda i, _n=nblk, _l=(vocab - 1) // VB: (
                    0,
                    jnp.minimum(i + _n, _l),
                ),
            ),
        ],
        out_specs=pl.BlockSpec((VB, PACKED_DIM), lambda i: (i, 0)),
        out_shape=jax.ShapeDtypeStruct((hb, PACKED_DIM), jnp.float32),
        compiler_params=pltpu.CompilerParams(dimension_semantics=("parallel",)),
    )(wt, wt)


def _sc_gather(table, idx, batch):
    n = idx.shape[0]
    half = batch // 2
    hv = table.shape[0] // 2
    per_worker = n // NUM_WORKERS
    n_chunks = per_worker // CHUNK
    n_groups = n_chunks // NSLOT
    mesh = plsc.VectorSubcoreMesh(core_axis_name="c", subcore_axis_name="s")

    @functools.partial(
        pl.kernel,
        mesh=mesh,
        compiler_params=pltpu.CompilerParams(use_tc_tiling_on_sc=False),
        out_type=jax.ShapeDtypeStruct((n // 2, 2, EMBEDDING_DIM), jnp.float32),
        scratch_types=[
            pltpu.VMEM((per_worker,), jnp.int32),
        ]
        + [pltpu.VMEM((CHUNK, EMBEDDING_DIM), jnp.float32) for _ in range(NSLOT)]
        + [pltpu.SemaphoreType.DMA for _ in range(2 * NSLOT)],
    )
    def gather_k(table_hbm, idx_hbm, out_hbm, idx_v, *scratch):
        bufs = scratch[:NSLOT]
        gsems = scratch[NSLOT : 2 * NSLOT]
        wsems = scratch[2 * NSLOT :]
        wid = lax.axis_index("s") * NUM_CORES + lax.axis_index("c")
        base = wid * per_worker
        pltpu.sync_copy(idx_hbm.at[pl.ds(base, per_worker)], idx_v)

        @pl.loop(0, per_worker, step=16)
        def _(i):
            v = idx_v[pl.ds(i, 16)]
            idx_v[pl.ds(i, 16)] = 2 * v - jnp.where(
                v >= hv, jnp.int32(2 * hv - 1), jnp.int32(0)
            )

        def start_gather(c, s):
            return pltpu.async_copy(
                table_hbm.at[idx_v.at[pl.ds(c * CHUNK, CHUNK)]], bufs[s], gsems[s]
            )

        def start_write(c, s):
            o = base + c * CHUNK
            sq = o // batch
            rem = o % batch
            p = rem // half
            j0 = rem % half
            t0 = sq * half + j0
            return pltpu.async_copy(
                bufs[s], out_hbm.at[pl.ds(t0, CHUNK), p], wsems[s]
            )

        for s in range(NSLOT):
            start_gather(s, s)

        @pl.loop(0, n_groups)
        def _(g):
            L = g * NSLOT
            handles = []
            for s in range(NSLOT):
                pltpu.make_async_copy(
                    table_hbm.at[idx_v.at[pl.ds(0, CHUNK)]], bufs[s], gsems[s]
                ).wait()
                handles.append(start_write(L + s, s))
            for s in range(NSLOT):
                handles[s].wait()

                @pl.when(g < n_groups - 1)
                def _():
                    start_gather(L + s + NSLOT, s)

    return gather_k(table, idx)


def _to_batch_minor(packed, seq, batch):
    half = batch // 2
    SB = 5

    def body(in_ref, o_ref):
        for i in range(SB):
            v = in_ref[i]
            o_ref[i] = jnp.concatenate(
                [v[:, :EMBEDDING_DIM].T, v[:, EMBEDDING_DIM:].T], axis=1
            )

    return pl.pallas_call(
        body,
        grid=(seq // SB,),
        in_specs=[pl.BlockSpec((SB, half, PACKED_DIM), lambda s: (s, 0, 0))],
        out_specs=pl.BlockSpec((SB, EMBEDDING_DIM, batch), lambda s: (s, 0, 0)),
        out_shape=jax.ShapeDtypeStruct((seq, EMBEDDING_DIM, batch), jnp.float32),
        compiler_params=pltpu.CompilerParams(dimension_semantics=("parallel",)),
    )(packed)


def kernel(x, weight):
    batch, seq = x.shape
    n = batch * seq
    half = batch // 2
    idx = x.T.reshape(n)
    packed_table = _row_major_table(weight.T)
    table = packed_table.reshape(2 * packed_table.shape[0], EMBEDDING_DIM)
    out3 = _sc_gather(table, idx, batch)
    packed = out3.reshape(seq, half, PACKED_DIM)
    p = _to_batch_minor(packed, seq, batch)
    return jnp.transpose(p, (2, 0, 1))

# --- scband reference (transcript-rebuilt; emitter-appended) ---
"""Pipeline reference for scband-embedding-50431505989853 (READ-ONLY COPY).

The authoritative reference and input builder live on the scoring server;
editing this copy changes nothing except your own understanding.
"""

import jax, jax.numpy as jnp
import numpy as np

NUM_EMBEDDINGS = 100000
EMBEDDING_DIM = 64

def setup_inputs(seed: int = 0) -> dict:
    key = jax.random.key(seed)
    k_idx, k_w = jax.random.split(key)
    x = jax.random.randint(k_idx, (4096, 50), 0, NUM_EMBEDDINGS, dtype=jnp.int64 if jax.config.jax_enable_x64 else jnp.int32)
    # trunc_normal_(std=1, a=-3, b=3) approximated via truncated normal
    weight = jax.random.truncated_normal(k_w, -3.0, 3.0, (NUM_EMBEDDINGS, EMBEDDING_DIM), dtype=jnp.float32)
    return {"x": x, "weight": weight}

def reference(x, weight):
    # weight[x] gather: output shape [4096, 50, 64]
    return jnp.take(weight, x, axis=0)

if __name__ == "__main__":
    import jax
    _d = setup_inputs()
    print(jax.jit(kernel)(*tuple(_d.values())))

</pallas_src>

<mosaic_0001>
#map = affine_map<(d0, d1) -> (0, 0)>
#map1 = affine_map<(d0, d1) -> (0)>
#map2 = affine_map<(d0, d1) -> (0, 0, 0)>
module attributes {stable_mosaic.version = 14 : i64} {
  func.func @gather_k(%arg0: i32, %arg1: i32, %arg2: memref<106496x64xf32, #tpu.memory_space<hbm>>, %arg3: memref<204800xi32, #tpu.memory_space<hbm>>, %arg4: memref<102400x2x64xf32, #tpu.memory_space<hbm>>, %arg5: memref<6400xi32, #tpu.memory_space<vmem>>, %arg6: memref<256x64xf32, #tpu.memory_space<vmem>>, %arg7: memref<256x64xf32, #tpu.memory_space<vmem>>, %arg8: memref<256x64xf32, #tpu.memory_space<vmem>>, %arg9: memref<256x64xf32, #tpu.memory_space<vmem>>, %arg10: memref<256x64xf32, #tpu.memory_space<vmem>>, %arg11: memref<!tpu.dma_semaphore, #tpu.memory_space<semaphore_mem>>, %arg12: memref<!tpu.dma_semaphore, #tpu.memory_space<semaphore_mem>>, %arg13: memref<!tpu.dma_semaphore, #tpu.memory_space<semaphore_mem>>, %arg14: memref<!tpu.dma_semaphore, #tpu.memory_space<semaphore_mem>>, %arg15: memref<!tpu.dma_semaphore, #tpu.memory_space<semaphore_mem>>, %arg16: memref<!tpu.dma_semaphore, #tpu.memory_space<semaphore_mem>>, %arg17: memref<!tpu.dma_semaphore, #tpu.memory_space<semaphore_mem>>, %arg18: memref<!tpu.dma_semaphore, #tpu.memory_space<semaphore_mem>>, %arg19: memref<!tpu.dma_semaphore, #tpu.memory_space<semaphore_mem>>, %arg20: memref<!tpu.dma_semaphore, #tpu.memory_space<semaphore_mem>>) attributes {dimension_semantics = [#tpu.dimension_semantics<core_parallel>, #tpu.dimension_semantics<subcore_parallel>], iteration_bounds = array<i64: 2, 16>, scalar_prefetch = 0 : i64, scratch_operands = 16 : i64, tpu.core_type = #tpu.core_type<sc_vector_subcore>, window_params = [{transform_indices = #map}, {transform_indices = #map1}, {transform_indices = #map2}]} {
    %mul3A = arith.constant 2 : i32
    %mul3A_0 = arith.muli %arg1, %mul3A : i32
    %add3A = arith.addi %mul3A_0, %arg0 : i32
    %mul3A_1 = arith.constant 6400 : i32
    %mul3A_2 = arith.muli %add3A, %mul3A_1 : i32
    "tpu.region"() ({
      %run_scoped3A = tpu.sem_alloc : memref<!tpu.dma_semaphore, #tpu.memory_space<semaphore_mem>>
      %dma_start3A_36 = tpu.memref_slice %arg3[%mul3A_2] : memref<204800xi32, #tpu.memory_space<hbm>> -> memref<6400xi32, #tpu.memory_space<hbm>>
      %dma_start3A_37 = tpu.memref_slice %arg3[%mul3A_2] : memref<204800xi32, #tpu.memory_space<hbm>> -> memref<6400xi32, #tpu.memory_space<hbm>>
      tpu.enqueue_dma source(%dma_start3A_37 : memref<6400xi32, #tpu.memory_space<hbm>>) target(%arg5 : memref<6400xi32, #tpu.memory_space<vmem>>) target_semaphore(%run_scoped3A : memref<!tpu.dma_semaphore, #tpu.memory_space<semaphore_mem>>)
      %dma_wait3A = tpu.memref_slice %arg3[%mul3A_2] : memref<204800xi32, #tpu.memory_space<hbm>> -> memref<6400xi32, #tpu.memory_space<hbm>>
      %dma_wait3A_38 = tpu.memref_slice %arg3[%mul3A_2] : memref<204800xi32, #tpu.memory_space<hbm>> -> memref<6400xi32, #tpu.memory_space<hbm>>
      tpu.wait_dma2 semaphore(%run_scoped3A : memref<!tpu.dma_semaphore, #tpu.memory_space<semaphore_mem>>) src(%dma_wait3A_38 : memref<6400xi32, #tpu.memory_space<hbm>>) dst(%arg5 : memref<6400xi32, #tpu.memory_space<vmem>>)
      tpu.yield
    }) : () -> ()
    %scan3A = arith.constant 0 : i32
    %scan3A_3 = arith.constant 400 : i32
    %scan3A_4 = arith.addi %scan3A, %scan3A_3 : i32
    %scan3A_5 = arith.constant 1 : i32
    scf.for %scan3A_36 = %scan3A to %scan3A_4 step %scan3A_5  : i32 {
      %mul3A_37 = arith.constant 16 : i32
      %mul3A_38 = arith.muli %scan3A_36, %mul3A_37 : i32
      %add3A_39 = arith.constant 0 : i32
      %add3A_40 = arith.addi %add3A_39, %mul3A_38 : i32
      %get3A = arith.index_cast %add3A_40 : i32 to index
      %get3A_41 = tpu.vector_load %arg5[%get3A] {strides = array<i32>} : memref<6400xi32, #tpu.memory_space<vmem>>, vector<16xi32>,
      %get3A_42 = vector.shape_cast %get3A_41 : vector<16xi32> to vector<16xi32>
      %mul3A_43 = arith.constant 2 : i32
      %mul3A_44 = vector.broadcast %mul3A_43 : i32 to vector<16xi32>
      %mul3A_45 = arith.muli %mul3A_44, %get3A_42 : vector<16xi32>
      %ge3A = arith.constant 53248 : i32
      %ge3A_46 = vector.broadcast %ge3A : i32 to vector<16xi32>
      %ge3A_47 = arith.cmpi sge, %get3A_42, %ge3A_46 : vector<16xi32>
      %jit3A = arith.constant 106495 : i32
      %jit3A_48 = arith.constant 0 : i32
      %broadcast_in_dim3A = vector.broadcast %jit3A : i32 to vector<16xi32>
      %broadcast_in_dim3A_49 = vector.broadcast %jit3A_48 : i32 to vector<16xi32>
      %select_n3A = arith.select %ge3A_47, %broadcast_in_dim3A, %broadcast_in_dim3A_49 : vector<16xi1>, vector<16xi32>
      %sub3A = arith.subi %mul3A_45, %select_n3A : vector<16xi32>
      %swap3A = arith.index_cast %add3A_40 : i32 to index
      %swap3A_50 = tpu.vector_load %arg5[%swap3A] {strides = array<i32>} : memref<6400xi32, #tpu.memory_space<vmem>>, vector<16xi32>,
      %swap3A_51 = vector.shape_cast %swap3A_50 : vector<16xi32> to vector<16xi32>
      %swap3A_52 = vector.shape_cast %sub3A : vector<16xi32> to vector<16xi32>
      tpu.vector_store %arg5[%swap3A], %swap3A_52 {strides = array<i32>} : memref<6400xi32, #tpu.memory_space<vmem>>, vector<16xi32>,
    }
    %scan3A_6 = arith.constant 400 : i32
    %dma_start3A = arith.constant 0 : i32
    %dma_start3A_7 = tpu.memref_slice %arg5[%dma_start3A] : memref<6400xi32, #tpu.memory_space<vmem>> -> memref<256xi32, #tpu.memory_space<vmem>>
    %dma_start3A_8 = arith.constant 0 : i32
    %dma_start3A_9 = arith.constant 0 : i32
    %dma_start3A_10 = tpu.memref_slice %arg2[%dma_start3A_8, %dma_start3A_9] : memref<106496x64xf32, #tpu.memory_space<hbm>> -> memref<106496x64xf32, #tpu.memory_space<hbm>>
    tpu.enqueue_indirect_dma source(%dma_start3A_10 : memref<106496x64xf32, #tpu.memory_space<hbm>>) target(%arg6 : memref<256x64xf32, #tpu.memory_space<vmem>>) offsets(%dma_start3A_7 : memref<256xi32, #tpu.memory_space<vmem>>) semaphore(%arg11 : memref<!tpu.dma_semaphore, #tpu.memory_space<semaphore_mem>>)
    %dma_start3A_11 = arith.constant 256 : i32
    %dma_start3A_12 = tpu.memref_slice %arg5[%dma_start3A_11] : memref<6400xi32, #tpu.memory_space<vmem>> -> memref<256xi32, #tpu.memory_space<vmem>>
    %dma_start3A_13 = arith.constant 0 : i32
    %dma_start3A_14 = arith.constant 0 : i32
    %dma_start3A_15 = tpu.memref_slice %arg2[%dma_start3A_13, %dma_start3A_14] : memref<106496x64xf32, #tpu.memory_space<hbm>> -> memref<106496x64xf32, #tpu.memory_space<hbm>>
    tpu.enqueue_indirect_dma source(%dma_start3A_15 : memref<106496x64xf32, #tpu.memory_space<hbm>>) target(%arg7 : memref<256x64xf32, #tpu.memory_space<vmem>>) offsets(%dma_start3A_12 : memref<256xi32, #tpu.memory_space<vmem>>) semaphore(%arg12 : memref<!tpu.dma_semaphore, #tpu.memory_space<semaphore_mem>>)
    %dma_start3A_16 = arith.constant 512 : i32
    %dma_start3A_17 = tpu.memref_slice %arg5[%dma_start3A_16] : memref<6400xi32, #tpu.memory_space<vmem>> -> memref<256xi32, #tpu.memory_space<vmem>>
    %dma_start3A_18 = arith.constant 0 : i32
    %dma_start3A_19 = arith.constant 0 : i32
    %dma_start3A_20 = tpu.memref_slice %arg2[%dma_start3A_18, %dma_start3A_19] : memref<106496x64xf32, #tpu.memory_space<hbm>> -> memref<106496x64xf32, #tpu.memory_space<hbm>>
    tpu.enqueue_indirect_dma source(%dma_start3A_20 : memref<106496x64xf32, #tpu.memory_space<hbm>>) target(%arg8 : memref<256x64xf32, #tpu.memory_space<vmem>>) offsets(%dma_start3A_17 : memref<256xi32, #tpu.memory_space<vmem>>) semaphore(%arg13 : memref<!tpu.dma_semaphore, #tpu.memory_space<semaphore_mem>>)
    %dma_start3A_21 = arith.constant 768 : i32
    %dma_start3A_22 = tpu.memref_slice %arg5[%dma_start3A_21] : memref<6400xi32, #tpu.memory_space<vmem>> -> memref<256xi32, #tpu.memory_space<vmem>>
    %dma_start3A_23 = arith.constant 0 : i32
    %dma_start3A_24 = arith.constant 0 : i32
    %dma_start3A_25 = tpu.memref_slice %arg2[%dma_start3A_23, %dma_start3A_24] : memref<106496x64xf32, #tpu.memory_space<hbm>> -> memref<106496x64xf32, #tpu.memory_space<hbm>>
    tpu.enqueue_indirect_dma source(%dma_start3A_25 : memref<106496x64xf32, #tpu.memory_space<hbm>>) target(%arg9 : memref<256x64xf32, #tpu.memory_space<vmem>>) offsets(%dma_start3A_22 : memref<256xi32, #tpu.memory_space<vmem>>) semaphore(%arg14 : memref<!tpu.dma_semaphore, #tpu.memory_space<semaphore_mem>>)
    %dma_start3A_26 = arith.constant 1024 : i32
    %dma_start3A_27 = tpu.memref_slice %arg5[%dma_start3A_26] : memref<6400xi32, #tpu.memory_space<vmem>> -> memref<256xi32, #tpu.memory_space<vmem>>
    %dma_start3A_28 = arith.constant 0 : i32
    %dma_start3A_29 = arith.constant 0 : i32
    %dma_start3A_30 = tpu.memref_slice %arg2[%dma_start3A_28, %dma_start3A_29] : memref<106496x64xf32, #tpu.memory_space<hbm>> -> memref<106496x64xf32, #tpu.memory_space<hbm>>
    tpu.enqueue_indirect_dma source(%dma_start3A_30 : memref<106496x64xf32, #tpu.memory_space<hbm>>) target(%arg10 : memref<256x64xf32, #tpu.memory_space<vmem>>) offsets(%dma_start3A_27 : memref<256xi32, #tpu.memory_space<vmem>>) semaphore(%arg15 : memref<!tpu.dma_semaphore, #tpu.memory_space<semaphore_mem>>)
    %scan3A_31 = arith.constant 0 : i32
    %scan3A_32 = arith.constant 5 : i32
    %scan3A_33 = arith.addi %scan3A_31, %scan3A_32 : i32
    %scan3A_34 = arith.constant 1 : i32
    scf.for %scan3A_36 = %scan3A_31 to %scan3A_33 step %scan3A_34  : i32 {
      %mul3A_37 = arith.constant 1 : i32
      %mul3A_38 = arith.muli %scan3A_36, %mul3A_37 : i32
      %add3A_39 = arith.constant 0 : i32
      %add3A_40 = arith.addi %add3A_39, %mul3A_38 : i32
      %mul3A_41 = arith.constant 5 : i32
      %mul3A_42 = arith.muli %add3A_40, %mul3A_41 : i32
      %dma_wait3A = arith.constant 0 : i32
      %dma_wait3A_43 = tpu.memref_slice %arg5[%dma_wait3A] : memref<6400xi32, #tpu.memory_space<vmem>> -> memref<256xi32, #tpu.memory_space<vmem>>
      %dma_wait3A_44 = arith.constant 0 : i32
      %dma_wait3A_45 = arith.constant 0 : i32
      %dma_wait3A_46 = tpu.memref_slice %arg2[%dma_wait3A_44, %dma_wait3A_45] : memref<106496x64xf32, #tpu.memory_space<hbm>> -> memref<106496x64xf32, #tpu.memory_space<hbm>>
      tpu.wait_indirect_dma semaphore(%arg11 : memref<!tpu.dma_semaphore, #tpu.memory_space<semaphore_mem>>) src(%dma_wait3A_46 : memref<106496x64xf32, #tpu.memory_space<hbm>>) dst(%arg6 : memref<256x64xf32, #tpu.memory_space<vmem>>)
      %add3A_47 = arith.constant 0 : i32
      %add3A_48 = arith.addi %mul3A_42, %add3A_47 : i32
      %mul3A_49 = arith.constant 256 : i32
      %mul3A_50 = arith.muli %add3A_48, %mul3A_49 : i32
      %add3A_51 = arith.addi %mul3A_2, %mul3A_50 : i32
      %jit3A = arith.constant 4096 : i32
      %div3A = arith.divsi %add3A_51, %jit3A : i32
      %sign3A = arith.constant 0 : i32
      %sign3A_52 = arith.cmpi sgt, %add3A_51, %sign3A : i32
      %sign3A_53 = arith.extui %sign3A_52 : i1 to i32
      %sign3A_54 = arith.constant 0 : i32
      %sign3A_55 = arith.cmpi slt, %add3A_51, %sign3A_54 : i32
      %sign3A_56 = arith.extui %sign3A_55 : i1 to i32
      %sign3A_57 = arith.subi %sign3A_53, %sign3A_56 : i32
      %sign3A_58 = arith.constant 0 : i32
      %sign3A_59 = arith.cmpi sgt, %jit3A, %sign3A_58 : i32
      %sign3A_60 = arith.extui %sign3A_59 : i1 to i32
      %sign3A_61 = arith.constant 0 : i32
      %sign3A_62 = arith.cmpi slt, %jit3A, %sign3A_61 : i32
      %sign3A_63 = arith.extui %sign3A_62 : i1 to i32
      %sign3A_64 = arith.subi %sign3A_60, %sign3A_63 : i32
      %ne3A = arith.cmpi ne, %sign3A_57, %sign3A_64 : i32
      %rem3A = arith.remsi %add3A_51, %jit3A : i32
      %ne3A_65 = arith.constant 0 : i32
      %ne3A_66 = arith.cmpi ne, %rem3A, %ne3A_65 : i32
      %and3A = arith.andi %ne3A, %ne3A_66 : i1
      %sub3A = arith.constant 1 : i32
      %sub3A_67 = arith.subi %div3A, %sub3A : i32
      %select_n3A = arith.select %and3A, %sub3A_67, %div3A : i32
      %jit3A_68 = arith.constant 4096 : i32
      %eq3A = arith.constant 0 : i32
      %eq3A_69 = arith.cmpi eq, %jit3A_68, %eq3A : i32
      %jit3A_70 = arith.constant 1 : i32
      %select_n3A_71 = arith.select %eq3A_69, %jit3A_70, %jit3A_68 : i32
      %rem3A_72 = arith.remsi %add3A_51, %select_n3A_71 : i32
      %ne3A_73 = arith.constant 0 : i32
      %ne3A_74 = arith.cmpi ne, %rem3A_72, %ne3A_73 : i32
      %lt3A = arith.constant 0 : i32
      %lt3A_75 = arith.cmpi slt, %rem3A_72, %lt3A : i32
      %lt3A_76 = arith.constant 0 : i32
      %lt3A_77 = arith.cmpi slt, %select_n3A_71, %lt3A_76 : i32
      %ne3A_78 = arith.xori %lt3A_75, %lt3A_77 : i1
      %and3A_79 = arith.andi %ne3A_78, %ne3A_74 : i1
      %add3A_80 = arith.addi %rem3A_72, %select_n3A_71 : i32
      %select_n3A_81 = arith.select %and3A_79, %add3A_80, %rem3A_72 : i32
      %jit3A_82 = arith.constant 2048 : i32
      %div3A_83 = arith.divsi %select_n3A_81, %jit3A_82 : i32
      %sign3A_84 = arith.constant 0 : i32
      %sign3A_85 = arith.cmpi sgt, %select_n3A_81, %sign3A_84 : i32
      %sign3A_86 = arith.extui %sign3A_85 : i1 to i32
      %sign3A_87 = arith.constant 0 : i32
      %sign3A_88 = arith.cmpi slt, %select_n3A_81, %sign3A_87 : i32
      %sign3A_89 = arith.extui %sign3A_88 : i1 to i32
      %sign3A_90 = arith.subi %sign3A_86, %sign3A_89 : i32
      %sign3A_91 = arith.constant 0 : i32
      %sign3A_92 = arith.cmpi sgt, %jit3A_82, %sign3A_91 : i32
      %sign3A_93 = arith.extui %sign3A_92 : i1 to i32
      %sign3A_94 = arith.constant 0 : i32
      %sign3A_95 = arith.cmpi slt, %jit3A_82, %sign3A_94 : i32
      %sign3A_96 = arith.extui %sign3A_95 : i1 to i32
      %sign3A_97 = arith.subi %sign3A_93, %sign3A_96 : i32
      %ne3A_98 = arith.cmpi ne, %sign3A_90, %sign3A_97 : i32
      %rem3A_99 = arith.remsi %select_n3A_81, %jit3A_82 : i32
      %ne3A_100 = arith.constant 0 : i32
      %ne3A_101 = arith.cmpi ne, %rem3A_99, %ne3A_100 : i32
      %and3A_102 = arith.andi %ne3A_98, %ne3A_101 : i1
      %sub3A_103 = arith.constant 1 : i32
      %sub3A_104 = arith.subi %div3A_83, %sub3A_103 : i32
      %select_n3A_105 = arith.select %and3A_102, %sub3A_104, %div3A_83 : i32
      %jit3A_106 = arith.constant 2048 : i32
      %eq3A_107 = arith.constant 0 : i32
      %eq3A_108 = arith.cmpi eq, %jit3A_106, %eq3A_107 : i32
      %jit3A_109 = arith.constant 1 : i32
      %select_n3A_110 = arith.select %eq3A_108, %jit3A_109, %jit3A_106 : i32
      %rem3A_111 = arith.remsi %select_n3A_81, %select_n3A_110 : i32
      %ne3A_112 = arith.constant 0 : i32
      %ne3A_113 = arith.cmpi ne, %rem3A_111, %ne3A_112 : i32
      %lt3A_114 = arith.constant 0 : i32
      %lt3A_115 = arith.cmpi slt, %rem3A_111, %lt3A_114 : i32
      %lt3A_116 = arith.constant 0 : i32
      %lt3A_117 = arith.cmpi slt, %select_n3A_110, %lt3A_116 : i32
      %ne3A_118 = arith.xori %lt3A_115, %lt3A_117 : i1
      %and3A_119 = arith.andi %ne3A_118, %ne3A_113 : i1
      %add3A_120 = arith.addi %rem3A_111, %select_n3A_110 : i32
      %select_n3A_121 = arith.select %and3A_119, %add3A_120, %rem3A_111 : i32
      %mul3A_122 = arith.constant 2048 : i32
      %mul3A_123 = arith.muli %select_n3A, %mul3A_122 : i32
      %add3A_124 = arith.addi %mul3A_123, %select_n3A_121 : i32
      %dma_start3A_125 = arith.constant 0 : i32
      %dma_start3A_126 = tpu.memref_slice %arg4[%add3A_124, %select_n3A_105, %dma_start3A_125] : memref<102400x2x64xf32, #tpu.memory_space<hbm>> -> memref<256x1x64xf32, #tpu.memory_space<hbm>>
      %dma_start3A_127 = tpu.memref_squeeze %dma_start3A_126 : memref<256x1x64xf32, #tpu.memory_space<hbm>> -> memref<256x64xf32, #tpu.memory_space<hbm>>
      %dma_start3A_128 = arith.constant 0 : i32
      %dma_start3A_129 = tpu.memref_slice %arg4[%add3A_124, %select_n3A_105, %dma_start3A_128] : memref<102400x2x64xf32, #tpu.memory_space<hbm>> -> memref<256x1x64xf32, #tpu.memory_space<hbm>>
      %dma_start3A_130 = tpu.memref_squeeze %dma_start3A_129 : memref<256x1x64xf32, #tpu.memory_space<hbm>> -> memref<256x64xf32, #tpu.memory_space<hbm>>
      tpu.enqueue_dma source(%arg6 : memref<256x64xf32, #tpu.memory_space<vmem>>) target(%dma_start3A_130 : memref<256x64xf32, #tpu.memory_space<hbm>>) target_semaphore(%arg16 : memref<!tpu.dma_semaphore, #tpu.memory_space<semaphore_mem>>)
      %dma_wait3A_131 = arith.constant 0 : i32
      %dma_wait3A_132 = tpu.memref_slice %arg5[%dma_wait3A_131] : memref<6400xi32, #tpu.memory_space<vmem>> -> memref<256xi32, #tpu.memory_space<vmem>>
      %dma_wait3A_133 = arith.constant 0 : i32
      %dma_wait3A_134 = arith.constant 0 : i32
      %dma_wait3A_135 = tpu.memref_slice %arg2[%dma_wait3A_133, %dma_wait3A_134] : memref<106496x64xf32, #tpu.memory_space<hbm>> -> memref<106496x64xf32, #tpu.memory_space<hbm>>
      tpu.wait_indirect_dma semaphore(%arg12 : memref<!tpu.dma_semaphore, #tpu.memory_space<semaphore_mem>>) src(%dma_wait3A_135 : memref<106496x64xf32, #tpu.memory_space<hbm>>) dst(%arg7 : memref<256x64xf32, #tpu.memory_space<vmem>>)
      %add3A_136 = arith.constant 1 : i32
      %add3A_137 = arith.addi %mul3A_42, %add3A_136 : i32
      %mul3A_138 = arith.constant 256 : i32
      %mul3A_139 = arith.muli %add3A_137, %mul3A_138 : i32
      %add3A_140 = arith.addi %mul3A_2, %mul3A_139 : i32
      %jit3A_141 = arith.constant 4096 : i32
      %div3A_142 = arith.divsi %add3A_140, %jit3A_141 : i32
      %sign3A_143 = arith.constant 0 : i32
      %sign3A_144 = arith.cmpi sgt, %add3A_140, %sign3A_143 : i32
      %sign3A_145 = arith.extui %sign3A_144 : i1 to i32
      %sign3A_146 = arith.constant 0 : i32
      %sign3A_147 = arith.cmpi slt, %add3A_140, %sign3A_146 : i32
      %sign3A_148 = arith.extui %sign3A_147 : i1 to i32
      %sign3A_149 = arith.subi %sign3A_145, %sign3A_148 : i32
      %sign3A_150 = arith.constant 0 : i32
      %sign3A_151 = arith.cmpi sgt, %jit3A_141, %sign3A_150 : i32
      %sign3A_152 = arith.extui %sign3A_151 : i1 to i32
      %sign3A_153 = arith.constant 0 : i32
      %sign3A_154 = arith.cmpi slt, %jit3A_141, %sign3A_153 : i32
      %sign3A_155 = arith.extui %sign3A_154 : i1 to i32
      %sign3A_156 = arith.subi %sign3A_152, %sign3A_155 : i32
      %ne3A_157 = arith.cmpi ne, %sign3A_149, %sign3A_156 : i32
      %rem3A_158 = arith.remsi %add3A_140, %jit3A_141 : i32
      %ne3A_159 = arith.constant 0 : i32
      %ne3A_160 = arith.cmpi ne, %rem3A_158, %ne3A_159 : i32
      %and3A_161 = arith.andi %ne3A_157, %ne3A_160 : i1
      %sub3A_162 = arith.constant 1 : i32
      %sub3A_163 = arith.subi %div3A_142, %sub3A_162 : i32
      %select_n3A_164 = arith.select %and3A_161, %sub3A_163, %div3A_142 : i32
      %jit3A_165 = arith.constant 4096 : i32
      %eq3A_166 = arith.constant 0 : i32
      %eq3A_167 = arith.cmpi eq, %jit3A_165, %eq3A_166 : i32
      %jit3A_168 = arith.constant 1 : i32
      %select_n3A_169 = arith.select %eq3A_167, %jit3A_168, %jit3A_165 : i32
      %rem3A_170 = arith.remsi %add3A_140, %select_n3A_169 : i32
      %ne3A_171 = arith.constant 0 : i32
      %ne3A_172 = arith.cmpi ne, %rem3A_170, %ne3A_171 : i32
      %lt3A_173 = arith.constant 0 : i32
      %lt3A_174 = arith.cmpi slt, %rem3A_170, %lt3A_173 : i32
      %lt3A_175 = arith.constant 0 : i32
      %lt3A_176 = arith.cmpi slt, %select_n3A_169, %lt3A_175 : i32
      %ne3A_177 = arith.xori %lt3A_174, %lt3A_176 : i1
      %and3A_178 = arith.andi %ne3A_177, %ne3A_172 : i1
      %add3A_179 = arith.addi %rem3A_170, %select_n3A_169 : i32
      %select_n3A_180 = arith.select %and3A_178, %add3A_179, %rem3A_170 : i32
      %jit3A_181 = arith.constant 2048 : i32
      %div3A_182 = arith.divsi %select_n3A_180, %jit3A_181 : i32
      %sign3A_183 = arith.constant 0 : i32
      %sign3A_184 = arith.cmpi sgt, %select_n3A_180, %sign3A_183 : i32
      %sign3A_185 = arith.extui %sign3A_184 : i1 to i32
      %sign3A_186 = arith.constant 0 : i32
      %sign3A_187 = arith.cmpi slt, %select_n3A_180, %sign3A_186 : i32
      %sign3A_188 = arith.extui %sign3A_187 : i1 to i32
      %sign3A_189 = arith.subi %sign3A_185, %sign3A_188 : i32
      %sign3A_190 = arith.constant 0 : i32
      %sign3A_191 = arith.cmpi sgt, %jit3A_181, %sign3A_190 : i32
      %sign3A_192 = arith.extui %sign3A_191 : i1 to i32
      %sign3A_193 = arith.constant 0 : i32
      %sign3A_194 = arith.cmpi slt, %jit3A_181, %sign3A_193 : i32
      %sign3A_195 = arith.extui %sign3A_194 : i1 to i32
      %sign3A_196 = arith.subi %sign3A_192, %sign3A_195 : i32
      %ne3A_197 = arith.cmpi ne, %sign3A_189, %sign3A_196 : i32
      %rem3A_198 = arith.remsi %select_n3A_180, %jit3A_181 : i32
      %ne3A_199 = arith.constant 0 : i32
      %ne3A_200 = arith.cmpi ne, %rem3A_198, %ne3A_199 : i32
      %and3A_201 = arith.andi %ne3A_197, %ne3A_200 : i1
      %sub3A_202 = arith.constant 1 : i32
      %sub3A_203 = arith.subi %div3A_182, %sub3A_202 : i32
      %select_n3A_204 = arith.select %and3A_201, %sub3A_203, %div3A_182 : i32
      %jit3A_205 = arith.constant 2048 : i32
      %eq3A_206 = arith.constant 0 : i32
      %eq3A_207 = arith.cmpi eq, %jit3A_205, %eq3A_206 : i32
      %jit3A_208 = arith.constant 1 : i32
      %select_n3A_209 = arith.select %eq3A_207, %jit3A_208, %jit3A_205 : i32
      %rem3A_210 = arith.remsi %select_n3A_180, %select_n3A_209 : i32
      %ne3A_211 = arith.constant 0 : i32
      %ne3A_212 = arith.cmpi ne, %rem3A_210, %ne3A_211 : i32
      %lt3A_213 = arith.constant 0 : i32
      %lt3A_214 = arith.cmpi slt, %rem3A_210, %lt3A_213 : i32
      %lt3A_215 = arith.constant 0 : i32
      %lt3A_216 = arith.cmpi slt, %select_n3A_209, %lt3A_215 : i32
      %ne3A_217 = arith.xori %lt3A_214, %lt3A_216 : i1
      %and3A_218 = arith.andi %ne3A_217, %ne3A_212 : i1
      %add3A_219 = arith.addi %rem3A_210, %select_n3A_209 : i32
      %select_n3A_220 = arith.select %and3A_218, %add3A_219, %rem3A_210 : i32
      %mul3A_221 = arith.constant 2048 : i32
      %mul3A_222 = arith.muli %select_n3A_164, %mul3A_221 : i32
      %add3A_223 = arith.addi %mul3A_222, %select_n3A_220 : i32
      %dma_start3A_224 = arith.constant 0 : i32
      %dma_start3A_225 = tpu.memref_slice %arg4[%add3A_223, %select_n3A_204, %dma_start3A_224] : memref<102400x2x64xf32, #tpu.memory_space<hbm>> -> memref<256x1x64xf32, #tpu.memory_space<hbm>>
      %dma_start3A_226 = tpu.memref_squeeze %dma_start3A_225 : memref<256x1x64xf32, #tpu.memory_space<hbm>> -> memref<256x64xf32, #tpu.memory_space<hbm>>
      %dma_start3A_227 = arith.constant 0 : i32
      %dma_start3A_228 = tpu.memref_slice %arg4[%add3A_223, %select_n3A_204, %dma_start3A_227] : memref<102400x2x64xf32, #tpu.memory_space<hbm>> -> memref<256x1x64xf32, #tpu.memory_space<hbm>>
      %dma_start3A_229 = tpu.memref_squeeze %dma_start3A_228 : memref<256x1x64xf32, #tpu.memory_space<hbm>> -> memref<256x64xf32, #tpu.memory_space<hbm>>
      tpu.enqueue_dma source(%arg7 : memref<256x64xf32, #tpu.memory_space<vmem>>) target(%dma_start3A_229 : memref<256x64xf32, #tpu.memory_space<hbm>>) target_semaphore(%arg17 : memref<!tpu.dma_semaphore, #tpu.memory_space<semaphore_mem>>)
      %dma_wait3A_230 = arith.constant 0 : i32
      %dma_wait3A_231 = tpu.memref_slice %arg5[%dma_wait3A_230] : memref<6400xi32, #tpu.memory_space<vmem>> -> memref<256xi32, #tpu.memory_space<vmem>>
      %dma_wait3A_232 = arith.constant 0 : i32
      %dma_wait3A_233 = arith.constant 0 : i32
      %dma_wait3A_234 = tpu.memref_slice %arg2[%dma_wait3A_232, %dma_wait3A_233] : memref<106496x64xf32, #tpu.memory_space<hbm>> -> memref<106496x64xf32, #tpu.memory_space<hbm>>
      tpu.wait_indirect_dma semaphore(%arg13 : memref<!tpu.dma_semaphore, #tpu.memory_space<semaphore_mem>>) src(%dma_wait3A_234 : memref<106496x64xf32, #tpu.memory_space<hbm>>) dst(%arg8 : memref<256x64xf32, #tpu.memory_space<vmem>>)
      %add3A_235 = arith.constant 2 : i32
      %add3A_236 = arith.addi %mul3A_42, %add3A_235 : i32
      %mul3A_237 = arith.constant 256 : i32
      %mul3A_238 = arith.muli %add3A_236, %mul3A_237 : i32
      %add3A_239 = arith.addi %mul3A_2, %mul3A_238 : i32
      %jit3A_240 = arith.constant 4096 : i32
      %div3A_241 = arith.divsi %add3A_239, %jit3A_240 : i32
      %sign3A_242 = arith.constant 0 : i32
      %sign3A_243 = arith.cmpi sgt, %add3A_239, %sign3A_242 : i32
      %sign3A_244 = arith.extui %sign3A_243 : i1 to i32
      %sign3A_245 = arith.constant 0 : i32
      %sign3A_246 = arith.cmpi slt, %add3A_239, %sign3A_245 : i32
      %sign3A_247 = arith.extui %sign3A_246 : i1 to i32
      %sign3A_248 = arith.subi %sign3A_244, %sign3A_247 : i32
      %sign3A_249 = arith.constant 0 : i32
      %sign3A_250 = arith.cmpi sgt, %jit3A_240, %sign3A_249 : i32
      %sign3A_251 = arith.extui %sign3A_250 : i1 to i32
      %sign3A_252 = arith.constant 0 : i32
      %sign3A_253 = arith.cmpi slt, %jit3A_240, %sign3A_252 : i32
      %sign3A_254 = arith.extui %sign3A_253 : i1 to i32
      %sign3A_255 = arith.subi %sign3A_251, %sign3A_254 : i32
      %ne3A_256 = arith.cmpi ne, %sign3A_248, %sign3A_255 : i32
      %rem3A_257 = arith.remsi %add3A_239, %jit3A_240 : i32
      %ne3A_258 = arith.constant 0 : i32
      %ne3A_259 = arith.cmpi ne, %rem3A_257, %ne3A_258 : i32
      %and3A_260 = arith.andi %ne3A_256, %ne3A_259 : i1
      %sub3A_261 = arith.constant 1 : i32
      %sub3A_262 = arith.subi %div3A_241, %sub3A_261 : i32
      %select_n3A_263 = arith.select %and3A_260, %sub3A_262, %div3A_241 : i32
      %jit3A_264 = arith.constant 4096 : i32
      %eq3A_265 = arith.constant 0 : i32
      %eq3A_266 = arith.cmpi eq, %jit3A_264, %eq3A_265 : i32
      %jit3A_267 = arith.constant 1 : i32
      %select_n3A_268 = arith.select %eq3A_266, %jit3A_267, %jit3A_264 : i32
      %rem3A_269 = arith.remsi %add3A_239, %select_n3A_268 : i32
      %ne3A_270 = arith.constant 0 : i32
      %ne3A_271 = arith.cmpi ne, %rem3A_269, %ne3A_270 : i32
      %lt3A_272 = arith.constant 0 : i32
      %lt3A_273 = arith.cmpi slt, %rem3A_269, %lt3A_272 : i32
      %lt3A_274 = arith.constant 0 : i32
      %lt3A_275 = arith.cmpi slt, %select_n3A_268, %lt3A_274 : i32
      %ne3A_276 = arith.xori %lt3A_273, %lt3A_275 : i1
      %and3A_277 = arith.andi %ne3A_276, %ne3A_271 : i1
      %add3A_278 = arith.addi %rem3A_269, %select_n3A_268 : i32
      %select_n3A_279 = arith.select %and3A_277, %add3A_278, %rem3A_269 : i32
      %jit3A_280 = arith.constant 2048 : i32
      %div3A_281 = arith.divsi %select_n3A_279, %jit3A_280 : i32
      %sign3A_282 = arith.constant 0 : i32
      %sign3A_283 = arith.cmpi sgt, %select_n3A_279, %sign3A_282 : i32
      %sign3A_284 = arith.extui %sign3A_283 : i1 to i32
      %sign3A_285 = arith.constant 0 : i32
      %sign3A_286 = arith.cmpi slt, %select_n3A_279, %sign3A_285 : i32
      %sign3A_287 = arith.extui %sign3A_286 : i1 to i32
      %sign3A_288 = arith.subi %sign3A_284, %sign3A_287 : i32
      %sign3A_289 = arith.constant 0 : i32
      %sign3A_290 = arith.cmpi sgt, %jit3A_280, %sign3A_289 : i32
      %sign3A_291 = arith.extui %sign3A_290 : i1 to i32
      %sign3A_292 = arith.constant 0 : i32
      %sign3A_293 = arith.cmpi slt, %jit3A_280, %sign3A_292 : i32
      %sign3A_294 = arith.extui %sign3A_293 : i1 to i32
      %sign3A_295 = arith.subi %sign3A_291, %sign3A_294 : i32
      %ne3A_296 = arith.cmpi ne, %sign3A_288, %sign3A_295 : i32
      %rem3A_297 = arith.remsi %select_n3A_279, %jit3A_280 : i32
      %ne3A_298 = arith.constant 0 : i32
      %ne3A_299 = arith.cmpi ne, %rem3A_297, %ne3A_298 : i32
      %and3A_300 = arith.andi %ne3A_296, %ne3A_299 : i1
      %sub3A_301 = arith.constant 1 : i32
      %sub3A_302 = arith.subi %div3A_281, %sub3A_301 : i32
      %select_n3A_303 = arith.select %and3A_300, %sub3A_302, %div3A_281 : i32
      %jit3A_304 = arith.constant 2048 : i32
      %eq3A_305 = arith.constant 0 : i32
      %eq3A_306 = arith.cmpi eq, %jit3A_304, %eq3A_305 : i32
      %jit3A_307 = arith.constant 1 : i32
      %select_n3A_308 = arith.select %eq3A_306, %jit3A_307, %jit3A_304 : i32
      %rem3A_309 = arith.remsi %select_n3A_279, %select_n3A_308 : i32
      %ne3A_310 = arith.constant 0 : i32
      %ne3A_311 = arith.cmpi ne, %rem3A_309, %ne3A_310 : i32
      %lt3A_312 = arith.constant 0 : i32
      %lt3A_313 = arith.cmpi slt, %rem3A_309, %lt3A_312 : i32
      %lt3A_314 = arith.constant 0 : i32
      %lt3A_315 = arith.cmpi slt, %select_n3A_308, %lt3A_314 : i32
      %ne3A_316 = arith.xori %lt3A_313, %lt3A_315 : i1
      %and3A_317 = arith.andi %ne3A_316, %ne3A_311 : i1
      %add3A_318 = arith.addi %rem3A_309, %select_n3A_308 : i32
      %select_n3A_319 = arith.select %and3A_317, %add3A_318, %rem3A_309 : i32
      %mul3A_320 = arith.constant 2048 : i32
      %mul3A_321 = arith.muli %select_n3A_263, %mul3A_320 : i32
      %add3A_322 = arith.addi %mul3A_321, %select_n3A_319 : i32
      %dma_start3A_323 = arith.constant 0 : i32
      %dma_start3A_324 = tpu.memref_slice %arg4[%add3A_322, %select_n3A_303, %dma_start3A_323] : memref<102400x2x64xf32, #tpu.memory_space<hbm>> -> memref<256x1x64xf32, #tpu.memory_space<hbm>>
      %dma_start3A_325 = tpu.memref_squeeze %dma_start3A_324 : memref<256x1x64xf32, #tpu.memory_space<hbm>> -> memref<256x64xf32, #tpu.memory_space<hbm>>
      %dma_start3A_326 = arith.constant 0 : i32
      %dma_start3A_327 = tpu.memref_slice %arg4[%add3A_322, %select_n3A_303, %dma_start3A_326] : memref<102400x2x64xf32, #tpu.memory_space<hbm>> -> memref<256x1x64xf32, #tpu.memory_space<hbm>>
      %dma_start3A_328 = tpu.memref_squeeze %dma_start3A_327 : memref<256x1x64xf32, #tpu.memory_space<hbm>> -> memref<256x64xf32, #tpu.memory_space<hbm>>
      tpu.enqueue_dma source(%arg8 : memref<256x64xf32, #tpu.memory_space<vmem>>) target(%dma_start3A_328 : memref<256x64xf32, #tpu.memory_space<hbm>>) target_semaphore(%arg18 : memref<!tpu.dma_semaphore, #tpu.memory_space<semaphore_mem>>)
      %dma_wait3A_329 = arith.constant 0 : i32
      %dma_wait3A_330 = tpu.memref_slice %arg5[%dma_wait3A_329] : memref<6400xi32, #tpu.memory_space<vmem>> -> memref<256xi32, #tpu.memory_space<vmem>>
      %dma_wait3A_331 = arith.constant 0 : i32
      %dma_wait3A_332 = arith.constant 0 : i32
      %dma_wait3A_333 = tpu.memref_slice %arg2[%dma_wait3A_331, %dma_wait3A_332] : memref<106496x64xf32, #tpu.memory_space<hbm>> -> memref<106496x64xf32, #tpu.memory_space<hbm>>
      tpu.wait_indirect_dma semaphore(%arg14 : memref<!tpu.dma_semaphore, #tpu.memory_space<semaphore_mem>>) src(%dma_wait3A_333 : memref<106496x64xf32, #tpu.memory_space<hbm>>) dst(%arg9 : memref<256x64xf32, #tpu.memory_space<vmem>>)
      %add3A_334 = arith.constant 3 : i32
      %add3A_335 = arith.addi %mul3A_42, %add3A_334 : i32
      %mul3A_336 = arith.constant 256 : i32
      %mul3A_337 = arith.muli %add3A_335, %mul3A_336 : i32
      %add3A_338 = arith.addi %mul3A_2, %mul3A_337 : i32
      %jit3A_339 = arith.constant 4096 : i32
      %div3A_340 = arith.divsi %add3A_338, %jit3A_339 : i32
      %sign3A_341 = arith.constant 0 : i32
      %sign3A_342 = arith.cmpi sgt, %add3A_338, %sign3A_341 : i32
      %sign3A_343 = arith.extui %sign3A_342 : i1 to i32
      %sign3A_344 = arith.constant 0 : i32
      %sign3A_345 = arith.cmpi slt, %add3A_338, %sign3A_344 : i32
      %sign3A_346 = arith.extui %sign3A_345 : i1 to i32
      %sign3A_347 = arith.subi %sign3A_343, %sign3A_346 : i32
      %sign3A_348 = arith.constant 0 : i32
      %sign3A_349 = arith.cmpi sgt, %jit3A_339, %sign3A_348 : i32
      %sign3A_350 = arith.extui %sign3A_349 : i1 to i32
      %sign3A_351 = arith.constant 0 : i32
      %sign3A_352 = arith.cmpi slt, %jit3A_339, %sign3A_351 : i32
      %sign3A_353 = arith.extui %sign3A_352 : i1 to i32
      %sign3A_354 = arith.subi %sign3A_350, %sign3A_353 : i32
      %ne3A_355 = arith.cmpi ne, %sign3A_347, %sign3A_354 : i32
      %rem3A_356 = arith.remsi %add3A_338, %jit3A_339 : i32
      %ne3A_357 = arith.constant 0 : i32
      %ne3A_358 = arith.cmpi ne, %rem3A_356, %ne3A_357 : i32
      %and3A_359 = arith.andi %ne3A_355, %ne3A_358 : i1
      %sub3A_360 = arith.constant 1 : i32
      %sub3A_361 = arith.subi %div3A_340, %sub3A_360 : i32
      %select_n3A_362 = arith.select %and3A_359, %sub3A_361, %div3A_340 : i32
      %jit3A_363 = arith.constant 4096 : i32
      %eq3A_364 = arith.constant 0 : i32
      %eq3A_365 = arith.cmpi eq, %jit3A_363, %eq3A_364 : i32
      %jit3A_366 = arith.constant 1 : i32
      %select_n3A_367 = arith.select %eq3A_365, %jit3A_366, %jit3A_363 : i32
      %rem3A_368 = arith.remsi %add3A_338, %select_n3A_367 : i32
      %ne3A_369 = arith.constant 0 : i32
      %ne3A_370 = arith.cmpi ne, %rem3A_368, %ne3A_369 : i32
      %lt3A_371 = arith.constant 0 : i32
      %lt3A_372 = arith.cmpi slt, %rem3A_368, %lt3A_371 : i32
      %lt3A_373 = arith.constant 0 : i32
      %lt3A_374 = arith.cmpi slt, %select_n3A_367, %lt3A_373 : i32
      %ne3A_375 = arith.xori %lt3A_372, %lt3A_374 : i1
      %and3A_376 = arith.andi %ne3A_375, %ne3A_370 : i1
      %add3A_377 = arith.addi %rem3A_368, %select_n3A_367 : i32
      %select_n3A_378 = arith.select %and3A_376, %add3A_377, %rem3A_368 : i32
      %jit3A_379 = arith.constant 2048 : i32
      %div3A_380 = arith.divsi %select_n3A_378, %jit3A_379 : i32
      %sign3A_381 = arith.constant 0 : i32
      %sign3A_382 = arith.cmpi sgt, %select_n3A_378, %sign3A_381 : i32
      %sign3A_383 = arith.extui %sign3A_382 : i1 to i32
      %sign3A_384 = arith.constant 0 : i32
      %sign3A_385 = arith.cmpi slt, %select_n3A_378, %sign3A_384 : i32
      %sign3A_386 = arith.extui %sign3A_385 : i1 to i32
      %sign3A_387 = arith.subi %sign3A_383, %sign3A_386 : i32
      %sign3A_388 = arith.constant 0 : i32
      %sign3A_389 = arith.cmpi sgt, %jit3A_379, %sign3A_388 : i32
      %sign3A_390 = arith.extui %sign3A_389 : i1 to i32
      %sign3A_391 = arith.constant 0 : i32
      %sign3A_392 = arith.cmpi slt, %jit3A_379, %sign3A_391 : i32
      %sign3A_393 = arith.extui %sign3A_392 : i1 to i32
      %sign3A_394 = arith.subi %sign3A_390, %sign3A_393 : i32
      %ne3A_395 = arith.cmpi ne, %sign3A_387, %sign3A_394 : i32
      %rem3A_396 = arith.remsi %select_n3A_378, %jit3A_379 : i32
      %ne3A_397 = arith.constant 0 : i32
      %ne3A_398 = arith.cmpi ne, %rem3A_396, %ne3A_397 : i32
      %and3A_399 = arith.andi %ne3A_395, %ne3A_398 : i1
      %sub3A_400 = arith.constant 1 : i32
      %sub3A_401 = arith.subi %div3A_380, %sub3A_400 : i32
      %select_n3A_402 = arith.select %and3A_399, %sub3A_401, %div3A_380 : i32
      %jit3A_403 = arith.constant 2048 : i32
      %eq3A_404 = arith.constant 0 : i32
      %eq3A_405 = arith.cmpi eq, %jit3A_403, %eq3A_404 : i32
      %jit3A_406 = arith.constant 1 : i32
      %select_n3A_407 = arith.select %eq3A_405, %jit3A_406, %jit3A_403 : i32
      %rem3A_408 = arith.remsi %select_n3A_378, %select_n3A_407 : i32
      %ne3A_409 = arith.constant 0 : i32
      %ne3A_410 = arith.cmpi ne, %rem3A_408, %ne3A_409 : i32
      %lt3A_411 = arith.constant 0 : i32
      %lt3A_412 = arith.cmpi slt, %rem3A_408, %lt3A_411 : i32
      %lt3A_413 = arith.constant 0 : i32
      %lt3A_414 = arith.cmpi slt, %select_n3A_407, %lt3A_413 : i32
      %ne3A_415 = arith.xori %lt3A_412, %lt3A_414 : i1
      %and3A_416 = arith.andi %ne3A_415, %ne3A_410 : i1
      %add3A_417 = arith.addi %rem3A_408, %select_n3A_407 : i32
      %select_n3A_418 = arith.select %and3A_416, %add3A_417, %rem3A_408 : i32
      %mul3A_419 = arith.constant 2048 : i32
      %mul3A_420 = arith.muli %select_n3A_362, %mul3A_419 : i32
      %add3A_421 = arith.addi %mul3A_420, %select_n3A_418 : i32
      %dma_start3A_422 = arith.constant 0 : i32
      %dma_start3A_423 = tpu.memref_slice %arg4[%add3A_421, %select_n3A_402, %dma_start3A_422] : memref<102400x2x64xf32, #tpu.memory_space<hbm>> -> memref<256x1x64xf32, #tpu.memory_space<hbm>>
      %dma_start3A_424 = tpu.memref_squeeze %dma_start3A_423 : memref<256x1x64xf32, #tpu.memory_space<hbm>> -> memref<256x64xf32, #tpu.memory_space<hbm>>
      %dma_start3A_425 = arith.constant 0 : i32
      %dma_start3A_426 = tpu.memref_slice %arg4[%add3A_421, %select_n3A_402, %dma_start3A_425] : memref<102400x2x64xf32, #tpu.memory_space<hbm>> -> memref<256x1x64xf32, #tpu.memory_space<hbm>>
      %dma_start3A_427 = tpu.memref_squeeze %dma_start3A_426 : memref<256x1x64xf32, #tpu.memory_space<hbm>> -> memref<256x64xf32, #tpu.memory_space<hbm>>
      tpu.enqueue_dma source(%arg9 : memref<256x64xf32, #tpu.memory_space<vmem>>) target(%dma_start3A_427 : memref<256x64xf32, #tpu.memory_space<hbm>>) target_semaphore(%arg19 : memref<!tpu.dma_semaphore, #tpu.memory_space<semaphore_mem>>)
      %dma_wait3A_428 = arith.constant 0 : i32
      %dma_wait3A_429 = tpu.memref_slice %arg5[%dma_wait3A_428] : memref<6400xi32, #tpu.memory_space<vmem>> -> memref<256xi32, #tpu.memory_space<vmem>>
      %dma_wait3A_430 = arith.constant 0 : i32
      %dma_wait3A_431 = arith.constant 0 : i32
      %dma_wait3A_432 = tpu.memref_slice %arg2[%dma_wait3A_430, %dma_wait3A_431] : memref<106496x64xf32, #tpu.memory_space<hbm>> -> memref<106496x64xf32, #tpu.memory_space<hbm>>
      tpu.wait_indirect_dma semaphore(%arg15 : memref<!tpu.dma_semaphore, #tpu.memory_space<semaphore_mem>>) src(%dma_wait3A_432 : memref<106496x64xf32, #tpu.memory_space<hbm>>) dst(%arg10 : memref<256x64xf32, #tpu.memory_space<vmem>>)
      %add3A_433 = arith.constant 4 : i32
      %add3A_434 = arith.addi %mul3A_42, %add3A_433 : i32
      %mul3A_435 = arith.constant 256 : i32
      %mul3A_436 = arith.muli %add3A_434, %mul3A_435 : i32
      %add3A_437 = arith.addi %mul3A_2, %mul3A_436 : i32
      %jit3A_438 = arith.constant 4096 : i32
      %div3A_439 = arith.divsi %add3A_437, %jit3A_438 : i32
      %sign3A_440 = arith.constant 0 : i32
      %sign3A_441 = arith.cmpi sgt, %add3A_437, %sign3A_440 : i32
      %sign3A_442 = arith.extui %sign3A_441 : i1 to i32
      %sign3A_443 = arith.constant 0 : i32
      %sign3A_444 = arith.cmpi slt, %add3A_437, %sign3A_443 : i32
      %sign3A_445 = arith.extui %sign3A_444 : i1 to i32
      %sign3A_446 = arith.subi %sign3A_442, %sign3A_445 : i32
      %sign3A_447 = arith.constant 0 : i32
      %sign3A_448 = arith.cmpi sgt, %jit3A_438, %sign3A_447 : i32
      %sign3A_449 = arith.extui %sign3A_448 : i1 to i32
      %sign3A_450 = arith.constant 0 : i32
      %sign3A_451 = arith.cmpi slt, %jit3A_438, %sign3A_450 : i32
      %sign3A_452 = arith.extui %sign3A_451 : i1 to i32
      %sign3A_453 = arith.subi %sign3A_449, %sign3A_452 : i32
      %ne3A_454 = arith.cmpi ne, %sign3A_446, %sign3A_453 : i32
      %rem3A_455 = arith.remsi %add3A_437, %jit3A_438 : i32
      %ne3A_456 = arith.constant 0 : i32
      %ne3A_457 = arith.cmpi ne, %rem3A_455, %ne3A_456 : i32
      %and3A_458 = arith.andi %ne3A_454, %ne3A_457 : i1
      %sub3A_459 = arith.constant 1 : i32
      %sub3A_460 = arith.subi %div3A_439, %sub3A_459 : i32
      %select_n3A_461 = arith.select %and3A_458, %sub3A_460, %div3A_439 : i32
      %jit3A_462 = arith.constant 4096 : i32
      %eq3A_463 = arith.constant 0 : i32
      %eq3A_464 = arith.cmpi eq, %jit3A_462, %eq3A_463 : i32
      %jit3A_465 = arith.constant 1 : i32
      %select_n3A_466 = arith.select %eq3A_464, %jit3A_465, %jit3A_462 : i32
      %rem3A_467 = arith.remsi %add3A_437, %select_n3A_466 : i32
      %ne3A_468 = arith.constant 0 : i32
      %ne3A_469 = arith.cmpi ne, %rem3A_467, %ne3A_468 : i32
      %lt3A_470 = arith.constant 0 : i32
      %lt3A_471 = arith.cmpi slt, %rem3A_467, %lt3A_470 : i32
      %lt3A_472 = arith.constant 0 : i32
      %lt3A_473 = arith.cmpi slt, %select_n3A_466, %lt3A_472 : i32
      %ne3A_474 = arith.xori %lt3A_471, %lt3A_473 : i1
      %and3A_475 = arith.andi %ne3A_474, %ne3A_469 : i1
      %add3A_476 = arith.addi %rem3A_467, %select_n3A_466 : i32
      %select_n3A_477 = arith.select %and3A_475, %add3A_476, %rem3A_467 : i32
      %jit3A_478 = arith.constant 2048 : i32
      %div3A_479 = arith.divsi %select_n3A_477, %jit3A_478 : i32
      %sign3A_480 = arith.constant 0 : i32
      %sign3A_481 = arith.cmpi sgt, %select_n3A_477, %sign3A_480 : i32
      %sign3A_482 = arith.extui %sign3A_481 : i1 to i32
      %sign3A_483 = arith.constant 0 : i32
      %sign3A_484 = arith.cmpi slt, %select_n3A_477, %sign3A_483 : i32
      %sign3A_485 = arith.extui %sign3A_484 : i1 to i32
      %sign3A_486 = arith.subi %sign3A_482, %sign3A_485 : i32
      %sign3A_487 = arith.constant 0 : i32
      %sign3A_488 = arith.cmpi sgt, %jit3A_478, %sign3A_487 : i32
      %sign3A_489 = arith.extui %sign3A_488 : i1 to i32
      %sign3A_490 = arith.constant 0 : i32
      %sign3A_491 = arith.cmpi slt, %jit3A_478, %sign3A_490 : i32
      %sign3A_492 = arith.extui %sign3A_491 : i1 to i32
      %sign3A_493 = arith.subi %sign3A_489, %sign3A_492 : i32
      %ne3A_494 = arith.cmpi ne, %sign3A_486, %sign3A_493 : i32
      %rem3A_495 = arith.remsi %select_n3A_477, %jit3A_478 : i32
      %ne3A_496 = arith.constant 0 : i32
      %ne3A_497 = arith.cmpi ne, %rem3A_495, %ne3A_496 : i32
      %and3A_498 = arith.andi %ne3A_494, %ne3A_497 : i1
      %sub3A_499 = arith.constant 1 : i32
      %sub3A_500 = arith.subi %div3A_479, %sub3A_499 : i32
      %select_n3A_501 = arith.select %and3A_498, %sub3A_500, %div3A_479 : i32
      %jit3A_502 = arith.constant 2048 : i32
      %eq3A_503 = arith.constant 0 : i32
      %eq3A_504 = arith.cmpi eq, %jit3A_502, %eq3A_503 : i32
      %jit3A_505 = arith.constant 1 : i32
      %select_n3A_506 = arith.select %eq3A_504, %jit3A_505, %jit3A_502 : i32
      %rem3A_507 = arith.remsi %select_n3A_477, %select_n3A_506 : i32
      %ne3A_508 = arith.constant 0 : i32
      %ne3A_509 = arith.cmpi ne, %rem3A_507, %ne3A_508 : i32
      %lt3A_510 = arith.constant 0 : i32
      %lt3A_511 = arith.cmpi slt, %rem3A_507, %lt3A_510 : i32
      %lt3A_512 = arith.constant 0 : i32
      %lt3A_513 = arith.cmpi slt, %select_n3A_506, %lt3A_512 : i32
      %ne3A_514 = arith.xori %lt3A_511, %lt3A_513 : i1
      %and3A_515 = arith.andi %ne3A_514, %ne3A_509 : i1
      %add3A_516 = arith.addi %rem3A_507, %select_n3A_506 : i32
      %select_n3A_517 = arith.select %and3A_515, %add3A_516, %rem3A_507 : i32
      %mul3A_518 = arith.constant 2048 : i32
      %mul3A_519 = arith.muli %select_n3A_461, %mul3A_518 : i32
      %add3A_520 = arith.addi %mul3A_519, %select_n3A_517 : i32
      %dma_start3A_521 = arith.constant 0 : i32
      %dma_start3A_522 = tpu.memref_slice %arg4[%add3A_520, %select_n3A_501, %dma_start3A_521] : memref<102400x2x64xf32, #tpu.memory_space<hbm>> -> memref<256x1x64xf32, #tpu.memory_space<hbm>>
      %dma_start3A_523 = tpu.memref_squeeze %dma_start3A_522 : memref<256x1x64xf32, #tpu.memory_space<hbm>> -> memref<256x64xf32, #tpu.memory_space<hbm>>
      %dma_start3A_524 = arith.constant 0 : i32
      %dma_start3A_525 = tpu.memref_slice %arg4[%add3A_520, %select_n3A_501, %dma_start3A_524] : memref<102400x2x64xf32, #tpu.memory_space<hbm>> -> memref<256x1x64xf32, #tpu.memory_space<hbm>>
      %dma_start3A_526 = tpu.memref_squeeze %dma_start3A_525 : memref<256x1x64xf32, #tpu.memory_space<hbm>> -> memref<256x64xf32, #tpu.memory_space<hbm>>
      tpu.enqueue_dma source(%arg10 : memref<256x64xf32, #tpu.memory_space<vmem>>) target(%dma_start3A_526 : memref<256x64xf32, #tpu.memory_space<hbm>>) target_semaphore(%arg20 : memref<!tpu.dma_semaphore, #tpu.memory_space<semaphore_mem>>)
      %dma_wait3A_527 = arith.constant 0 : i32
      %dma_wait3A_528 = tpu.memref_slice %arg4[%add3A_124, %select_n3A_105, %dma_wait3A_527] : memref<102400x2x64xf32, #tpu.memory_space<hbm>> -> memref<256x1x64xf32, #tpu.memory_space<hbm>>
      %dma_wait3A_529 = tpu.memref_squeeze %dma_wait3A_528 : memref<256x1x64xf32, #tpu.memory_space<hbm>> -> memref<256x64xf32, #tpu.memory_space<hbm>>
      %dma_wait3A_530 = arith.constant 0 : i32
      %dma_wait3A_531 = tpu.memref_slice %arg4[%add3A_124, %select_n3A_105, %dma_wait3A_530] : memref<102400x2x64xf32, #tpu.memory_space<hbm>> -> memref<256x1x64xf32, #tpu.memory_space<hbm>>
      %dma_wait3A_532 = tpu.memref_squeeze %dma_wait3A_531 : memref<256x1x64xf32, #tpu.memory_space<hbm>> -> memref<256x64xf32, #tpu.memory_space<hbm>>
      tpu.wait_dma2 semaphore(%arg16 : memref<!tpu.dma_semaphore, #tpu.memory_space<semaphore_mem>>) src(%arg6 : memref<256x64xf32, #tpu.memory_space<vmem>>) dst(%dma_wait3A_532 : memref<256x64xf32, #tpu.memory_space<hbm>>)
      %lt3A_533 = arith.constant 4 : i32
      %lt3A_534 = arith.cmpi slt, %add3A_40, %lt3A_533 : i32
      %convert_element_type3A = arith.extui %lt3A_534 : i1 to i32
      %cond3A = arith.constant 0 : i32
      %cond3A_535 = arith.cmpi ne, %convert_element_type3A, %cond3A : i32
      scf.if %cond3A_535 {
        %add3A_580 = arith.constant 0 : i32
        %add3A_581 = arith.addi %mul3A_42, %add3A_580 : i32
        %add3A_582 = arith.constant 5 : i32
        %add3A_583 = arith.addi %add3A_581, %add3A_582 : i32
        %mul3A_584 = arith.constant 256 : i32
        %mul3A_585 = arith.muli %add3A_583, %mul3A_584 : i32
        %dma_start3A_586 = tpu.memref_slice %arg5[%mul3A_585] : memref<6400xi32, #tpu.memory_space<vmem>> -> memref<256xi32, #tpu.memory_space<vmem>>
        %dma_start3A_587 = arith.constant 0 : i32
        %dma_start3A_588 = arith.constant 0 : i32
        %dma_start3A_589 = tpu.memref_slice %arg2[%dma_start3A_587, %dma_start3A_588] : memref<106496x64xf32, #tpu.memory_space<hbm>> -> memref<106496x64xf32, #tpu.memory_space<hbm>>
        tpu.enqueue_indirect_dma source(%dma_start3A_589 : memref<106496x64xf32, #tpu.memory_space<hbm>>) target(%arg6 : memref<256x64xf32, #tpu.memory_space<vmem>>) offsets(%dma_start3A_586 : memref<256xi32, #tpu.memory_space<vmem>>) semaphore(%arg11 : memref<!tpu.dma_semaphore, #tpu.memory_space<semaphore_mem>>)
      } else {
      }
      %dma_wait3A_536 = arith.constant 0 : i32
      %dma_wait3A_537 = tpu.memref_slice %arg4[%add3A_223, %select_n3A_204, %dma_wait3A_536] : memref<102400x2x64xf32, #tpu.memory_space<hbm>> -> memref<256x1x64xf32, #tpu.memory_space<hbm>>
      %dma_wait3A_538 = tpu.memref_squeeze %dma_wait3A_537 : memref<256x1x64xf32, #tpu.memory_space<hbm>> -> memref<256x64xf32, #tpu.memory_space<hbm>>
      %dma_wait3A_539 = arith.constant 0 : i32
      %dma_wait3A_540 = tpu.memref_slice %arg4[%add3A_223, %select_n3A_204, %dma_wait3A_539] : memref<102400x2x64xf32, #tpu.memory_space<hbm>> -> memref<256x1x64xf32, #tpu.memory_space<hbm>>
      %dma_wait3A_541 = tpu.memref_squeeze %dma_wait3A_540 : memref<256x1x64xf32, #tpu.memory_space<hbm>> -> memref<256x64xf32, #tpu.memory_space<hbm>>
      tpu.wait_dma2 semaphore(%arg17 : memref<!tpu.dma_semaphore, #tpu.memory_space<semaphore_mem>>) src(%arg7 : memref<256x64xf32, #tpu.memory_space<vmem>>) dst(%dma_wait3A_541 : memref<256x64xf32, #tpu.memory_space<hbm>>)
      %lt3A_542 = arith.constant 4 : i32
      %lt3A_543 = arith.cmpi slt, %add3A_40, %lt3A_542 : i32
      %convert_element_type3A_544 = arith.extui %lt3A_543 : i1 to i32
      %cond3A_545 = arith.constant 0 : i32
      %cond3A_546 = arith.cmpi ne, %convert_element_type3A_544, %cond3A_545 : i32
      scf.if %cond3A_546 {
        %add3A_580 = arith.constant 1 : i32
        %add3A_581 = arith.addi %mul3A_42, %add3A_580 : i32
        %add3A_582 = arith.constant 5 : i32
        %add3A_583 = arith.addi %add3A_581, %add3A_582 : i32
        %mul3A_584 = arith.constant 256 : i32
        %mul3A_585 = arith.muli %add3A_583, %mul3A_584 : i32
        %dma_start3A_586 = tpu.memref_slice %arg5[%mul3A_585] : memref<6400xi32, #tpu.memory_space<vmem>> -> memref<256xi32, #tpu.memory_space<vmem>>
        %dma_start3A_587 = arith.constant 0 : i32
        %dma_start3A_588 = arith.constant 0 : i32
        %dma_start3A_589 = tpu.memref_slice %arg2[%dma_start3A_587, %dma_start3A_588] : memref<106496x64xf32, #tpu.memory_space<hbm>> -> memref<106496x64xf32, #tpu.memory_space<hbm>>
        tpu.enqueue_indirect_dma source(%dma_start3A_589 : memref<106496x64xf32, #tpu.memory_space<hbm>>) target(%arg7 : memref<256x64xf32, #tpu.memory_space<vmem>>) offsets(%dma_start3A_586 : memref<256xi32, #tpu.memory_space<vmem>>) semaphore(%arg12 : memref<!tpu.dma_semaphore, #tpu.memory_space<semaphore_mem>>)
      } else {
      }
      %dma_wait3A_547 = arith.constant 0 : i32
      %dma_wait3A_548 = tpu.memref_slice %arg4[%add3A_322, %select_n3A_303, %dma_wait3A_547] : memref<102400x2x64xf32, #tpu.memory_space<hbm>> -> memref<256x1x64xf32, #tpu.memory_space<hbm>>
      %dma_wait3A_549 = tpu.memref_squeeze %dma_wait3A_548 : memref<256x1x64xf32, #tpu.memory_space<hbm>> -> memref<256x64xf32, #tpu.memory_space<hbm>>
      %dma_wait3A_550 = arith.constant 0 : i32
      %dma_wait3A_551 = tpu.memref_slice %arg4[%add3A_322, %select_n3A_303, %dma_wait3A_550] : memref<102400x2x64xf32, #tpu.memory_space<hbm>> -> memref<256x1x64xf32, #tpu.memory_space<hbm>>
      %dma_wait3A_552 = tpu.memref_squeeze %dma_wait3A_551 : memref<256x1x64xf32, #tpu.memory_space<hbm>> -> memref<256x64xf32, #tpu.memory_space<hbm>>
      tpu.wait_dma2 semaphore(%arg18 : memref<!tpu.dma_semaphore, #tpu.memory_space<semaphore_mem>>) src(%arg8 : memref<256x64xf32, #tpu.memory_space<vmem>>) dst(%dma_wait3A_552 : memref<256x64xf32, #tpu.memory_space<hbm>>)
      %lt3A_553 = arith.constant 4 : i32
      %lt3A_554 = arith.cmpi slt, %add3A_40, %lt3A_553 : i32
      %convert_element_type3A_555 = arith.extui %lt3A_554 : i1 to i32
      %cond3A_556 = arith.constant 0 : i32
      %cond3A_557 = arith.cmpi ne, %convert_element_type3A_555, %cond3A_556 : i32
      scf.if %cond3A_557 {
        %add3A_580 = arith.constant 2 : i32
        %add3A_581 = arith.addi %mul3A_42, %add3A_580 : i32
        %add3A_582 = arith.constant 5 : i32
        %add3A_583 = arith.addi %add3A_581, %add3A_582 : i32
        %mul3A_584 = arith.constant 256 : i32
        %mul3A_585 = arith.muli %add3A_583, %mul3A_584 : i32
        %dma_start3A_586 = tpu.memref_slice %arg5[%mul3A_585] : memref<6400xi32, #tpu.memory_space<vmem>> -> memref<256xi32, #tpu.memory_space<vmem>>
        %dma_start3A_587 = arith.constant 0 : i32
        %dma_start3A_588 = arith.constant 0 : i32
        %dma_start3A_589 = tpu.memref_slice %arg2[%dma_start3A_587, %dma_start3A_588] : memref<106496x64xf32, #tpu.memory_space<hbm>> -> memref<106496x64xf32, #tpu.memory_space<hbm>>
        tpu.enqueue_indirect_dma source(%dma_start3A_589 : memref<106496x64xf32, #tpu.memory_space<hbm>>) target(%arg8 : memref<256x64xf32, #tpu.memory_space<vmem>>) offsets(%dma_start3A_586 : memref<256xi32, #tpu.memory_space<vmem>>) semaphore(%arg13 : memref<!tpu.dma_semaphore, #tpu.memory_space<semaphore_mem>>)
      } else {
      }
      %dma_wait3A_558 = arith.constant 0 : i32
      %dma_wait3A_559 = tpu.memref_slice %arg4[%add3A_421, %select_n3A_402, %dma_wait3A_558] : memref<102400x2x64xf32, #tpu.memory_space<hbm>> -> memref<256x1x64xf32, #tpu.memory_space<hbm>>
      %dma_wait3A_560 = tpu.memref_squeeze %dma_wait3A_559 : memref<256x1x64xf32, #tpu.memory_space<hbm>> -> memref<256x64xf32, #tpu.memory_space<hbm>>
      %dma_wait3A_561 = arith.constant 0 : i32
      %dma_wait3A_562 = tpu.memref_slice %arg4[%add3A_421, %select_n3A_402, %dma_wait3A_561] : memref<102400x2x64xf32, #tpu.memory_space<hbm>> -> memref<256x1x64xf32, #tpu.memory_space<hbm>>
      %dma_wait3A_563 = tpu.memref_squeeze %dma_wait3A_562 : memref<256x1x64xf32, #tpu.memory_space<hbm>> -> memref<256x64xf32, #tpu.memory_space<hbm>>
      tpu.wait_dma2 semaphore(%arg19 : memref<!tpu.dma_semaphore, #tpu.memory_space<semaphore_mem>>) src(%arg9 : memref<256x64xf32, #tpu.memory_space<vmem>>) dst(%dma_wait3A_563 : memref<256x64xf32, #tpu.memory_space<hbm>>)
      %lt3A_564 = arith.constant 4 : i32
      %lt3A_565 = arith.cmpi slt, %add3A_40, %lt3A_564 : i32
      %convert_element_type3A_566 = arith.extui %lt3A_565 : i1 to i32
      %cond3A_567 = arith.constant 0 : i32
      %cond3A_568 = arith.cmpi ne, %convert_element_type3A_566, %cond3A_567 : i32
      scf.if %cond3A_568 {
        %add3A_580 = arith.constant 3 : i32
        %add3A_581 = arith.addi %mul3A_42, %add3A_580 : i32
        %add3A_582 = arith.constant 5 : i32
        %add3A_583 = arith.addi %add3A_581, %add3A_582 : i32
        %mul3A_584 = arith.constant 256 : i32
        %mul3A_585 = arith.muli %add3A_583, %mul3A_584 : i32
        %dma_start3A_586 = tpu.memref_slice %arg5[%mul3A_585] : memref<6400xi32, #tpu.memory_space<vmem>> -> memref<256xi32, #tpu.memory_space<vmem>>
        %dma_start3A_587 = arith.constant 0 : i32
        %dma_start3A_588 = arith.constant 0 : i32
        %dma_start3A_589 = tpu.memref_slice %arg2[%dma_start3A_587, %dma_start3A_588] : memref<106496x64xf32, #tpu.memory_space<hbm>> -> memref<106496x64xf32, #tpu.memory_space<hbm>>
        tpu.enqueue_indirect_dma source(%dma_start3A_589 : memref<106496x64xf32, #tpu.memory_space<hbm>>) target(%arg9 : memref<256x64xf32, #tpu.memory_space<vmem>>) offsets(%dma_start3A_586 : memref<256xi32, #tpu.memory_space<vmem>>) semaphore(%arg14 : memref<!tpu.dma_semaphore, #tpu.memory_space<semaphore_mem>>)
      } else {
      }
      %dma_wait3A_569 = arith.constant 0 : i32
      %dma_wait3A_570 = tpu.memref_slice %arg4[%add3A_520, %select_n3A_501, %dma_wait3A_569] : memref<102400x2x64xf32, #tpu.memory_space<hbm>> -> memref<256x1x64xf32, #tpu.memory_space<hbm>>
      %dma_wait3A_571 = tpu.memref_squeeze %dma_wait3A_570 : memref<256x1x64xf32, #tpu.memory_space<hbm>> -> memref<256x64xf32, #tpu.memory_space<hbm>>
      %dma_wait3A_572 = arith.constant 0 : i32
      %dma_wait3A_573 = tpu.memref_slice %arg4[%add3A_520, %select_n3A_501, %dma_wait3A_572] : memref<102400x2x64xf32, #tpu.memory_space<hbm>> -> memref<256x1x64xf32, #tpu.memory_space<hbm>>
      %dma_wait3A_574 = tpu.memref_squeeze %dma_wait3A_573 : memref<256x1x64xf32, #tpu.memory_space<hbm>> -> memref<256x64xf32, #tpu.memory_space<hbm>>
      tpu.wait_dma2 semaphore(%arg20 : memref<!tpu.dma_semaphore, #tpu.memory_space<semaphore_mem>>) src(%arg10 : memref<256x64xf32, #tpu.memory_space<vmem>>) dst(%dma_wait3A_574 : memref<256x64xf32, #tpu.memory_space<hbm>>)
      %lt3A_575 = arith.constant 4 : i32
      %lt3A_576 = arith.cmpi slt, %add3A_40, %lt3A_575 : i32
      %convert_element_type3A_577 = arith.extui %lt3A_576 : i1 to i32
      %cond3A_578 = arith.constant 0 : i32
      %cond3A_579 = arith.cmpi ne, %convert_element_type3A_577, %cond3A_578 : i32
      scf.if %cond3A_579 {
        %add3A_580 = arith.constant 4 : i32
        %add3A_581 = arith.addi %mul3A_42, %add3A_580 : i32
        %add3A_582 = arith.constant 5 : i32
        %add3A_583 = arith.addi %add3A_581, %add3A_582 : i32
        %mul3A_584 = arith.constant 256 : i32
        %mul3A_585 = arith.muli %add3A_583, %mul3A_584 : i32
        %dma_start3A_586 = tpu.memref_slice %arg5[%mul3A_585] : memref<6400xi32, #tpu.memory_space<vmem>> -> memref<256xi32, #tpu.memory_space<vmem>>
        %dma_start3A_587 = arith.constant 0 : i32
        %dma_start3A_588 = arith.constant 0 : i32
        %dma_start3A_589 = tpu.memref_slice %arg2[%dma_start3A_587, %dma_start3A_588] : memref<106496x64xf32, #tpu.memory_space<hbm>> -> memref<106496x64xf32, #tpu.memory_space<hbm>>
        tpu.enqueue_indirect_dma source(%dma_start3A_589 : memref<106496x64xf32, #tpu.memory_space<hbm>>) target(%arg10 : memref<256x64xf32, #tpu.memory_space<vmem>>) offsets(%dma_start3A_586 : memref<256xi32, #tpu.memory_space<vmem>>) semaphore(%arg15 : memref<!tpu.dma_semaphore, #tpu.memory_space<semaphore_mem>>)
      } else {
      }
    }
    %scan3A_35 = arith.constant 5 : i32
    return
  }
}

module attributes {stable_mosaic.version = 14 : i64} {
  func.func @body(%arg0: i32, %arg1: memref<64x4096xf32, #tpu.memory_space<vmem>>, %arg2: memref<64x4096xf32, #tpu.memory_space<vmem>>, %arg3: memref<4096x128xf32, #tpu.memory_space<vmem>>) attributes {dimension_semantics = [#tpu.dimension_semantics<parallel>], iteration_bounds = array<i64: 13>, scalar_prefetch = 0 : i64, scratch_operands = 0 : i64, tpu.core_type = #tpu.core_type<tc>, window_params = [{transform_indices = @transform_0, window_bounds = array<i64: 64, 4096>}, {transform_indices = @transform_1, window_bounds = array<i64: 64, 4096>}, {transform_indices = @transform_2, window_bounds = array<i64: 4096, 128>}]} {
    %get3A = arith.constant 0 : index
    %get3A_0 = arith.constant 0 : index
    %get3A_1 = vector.load %arg1[%get3A, %get3A_0] : memref<64x4096xf32, #tpu.memory_space<vmem>>, vector<64x4096xf32>
    %transpose3A = tpu.transpose %get3A_1, [1, 0] : vector<64x4096xf32> -> vector<4096x64xf32>
    %get3A_2 = arith.constant 0 : index
    %get3A_3 = arith.constant 0 : index
    %get3A_4 = vector.load %arg2[%get3A_2, %get3A_3] : memref<64x4096xf32, #tpu.memory_space<vmem>>, vector<64x4096xf32>
    %transpose3A_5 = tpu.transpose %get3A_4, [1, 0] : vector<64x4096xf32> -> vector<4096x64xf32>
    %concatenate3A = tpu.concatenate %transpose3A, %transpose3A_5 in 1 : vector<4096x64xf32>, vector<4096x64xf32> -> vector<4096x128xf32>
    %swap3A = arith.constant 0 : index
    %swap3A_6 = arith.constant 0 : index
    %swap3A_7 = vector.load %arg3[%swap3A, %swap3A_6] : memref<4096x128xf32, #tpu.memory_space<vmem>>, vector<4096x128xf32>
    tpu.vector_store %arg3[%swap3A, %swap3A_6], %concatenate3A {strides = array<i32>} : memref<4096x128xf32, #tpu.memory_space<vmem>>, vector<4096x128xf32>,
    return
  }
  func.func @transform_0(%arg0: i32) -> (i32, i32) {
    %c0_i32 = arith.constant 0 : i32
    %c0_i32_0 = arith.constant 0 : i32
    return %c0_i32, %arg0 : i32, i32
  }
  func.func @transform_1(%arg0: i32) -> (i32, i32) {
    %add3A = arith.constant 13 : i32
    %add3A_0 = arith.addi %arg0, %add3A : i32
    %min3A = arith.constant 24 : i32
    %min3A_1 = arith.minsi %add3A_0, %min3A : i32
    %c0_i32 = arith.constant 0 : i32
    %c0_i32_2 = arith.constant 0 : i32
    return %c0_i32, %min3A_1 : i32, i32
  }
  func.func @transform_2(%arg0: i32) -> (i32, i32) {
    %c0_i32 = arith.constant 0 : i32
    %c0_i32_0 = arith.constant 0 : i32
    return %arg0, %c0_i32 : i32, i32
  }
}

module attributes {stable_mosaic.version = 14 : i64} {
  func.func @body(%arg0: i32, %arg1: memref<5x2048x128xf32, #tpu.memory_space<vmem>>, %arg2: memref<5x64x4096xf32, #tpu.memory_space<vmem>>) attributes {dimension_semantics = [#tpu.dimension_semantics<parallel>], iteration_bounds = array<i64: 10>, scalar_prefetch = 0 : i64, scratch_operands = 0 : i64, tpu.core_type = #tpu.core_type<tc>, window_params = [{transform_indices = @transform_0, window_bounds = array<i64: 5, 2048, 128>}, {transform_indices = @transform_1, window_bounds = array<i64: 5, 64, 4096>}]} {
    %get3A = arith.constant 0 : index
    %get3A_0 = arith.constant 0 : index
    %get3A_1 = arith.constant 0 : index
    %get3A_2 = vector.load %arg1[%get3A, %get3A_0, %get3A_1] : memref<5x2048x128xf32, #tpu.memory_space<vmem>>, vector<1x2048x128xf32>
    %get3A_3 = vector.shape_cast %get3A_2 : vector<1x2048x128xf32> to vector<2048x128xf32>
    %slice3A = vector.extract_strided_slice %get3A_3 {offsets = [0, 0], sizes = [2048, 64], strides = [1, 1]} : vector<2048x128xf32> to vector<2048x64xf32>
    %transpose3A = tpu.transpose %slice3A, [1, 0] : vector<2048x64xf32> -> vector<64x2048xf32>
    %slice3A_4 = vector.extract_strided_slice %get3A_3 {offsets = [0, 64], sizes = [2048, 64], strides = [1, 1]} : vector<2048x128xf32> to vector<2048x64xf32>
    %transpose3A_5 = tpu.transpose %slice3A_4, [1, 0] : vector<2048x64xf32> -> vector<64x2048xf32>
    %concatenate3A = tpu.concatenate %transpose3A, %transpose3A_5 in 1 : vector<64x2048xf32>, vector<64x2048xf32> -> vector<64x4096xf32>
    %swap3A = arith.constant 0 : index
    %swap3A_6 = arith.constant 0 : index
    %swap3A_7 = arith.constant 0 : index
    %swap3A_8 = vector.load %arg2[%swap3A, %swap3A_6, %swap3A_7] : memref<5x64x4096xf32, #tpu.memory_space<vmem>>, vector<1x64x4096xf32>
    %swap3A_9 = vector.shape_cast %swap3A_8 : vector<1x64x4096xf32> to vector<64x4096xf32>
    %swap3A_10 = vector.shape_cast %concatenate3A : vector<64x4096xf32> to vector<1x64x4096xf32>
    tpu.vector_store %arg2[%swap3A, %swap3A_6, %swap3A_7], %swap3A_10 {strides = array<i32>} : memref<5x64x4096xf32, #tpu.memory_space<vmem>>, vector<1x64x4096xf32>,
    %get3A_11 = arith.constant 1 : index
    %get3A_12 = arith.constant 0 : index
    %get3A_13 = arith.constant 0 : index
    %get3A_14 = vector.load %arg1[%get3A_11, %get3A_12, %get3A_13] : memref<5x2048x128xf32, #tpu.memory_space<vmem>>, vector<1x2048x128xf32>
    %get3A_15 = vector.shape_cast %get3A_14 : vector<1x2048x128xf32> to vector<2048x128xf32>
    %slice3A_16 = vector.extract_strided_slice %get3A_15 {offsets = [0, 0], sizes = [2048, 64], strides = [1, 1]} : vector<2048x128xf32> to vector<2048x64xf32>
    %transpose3A_17 = tpu.transpose %slice3A_16, [1, 0] : vector<2048x64xf32> -> vector<64x2048xf32>
    %slice3A_18 = vector.extract_strided_slice %get3A_15 {offsets = [0, 64], sizes = [2048, 64], strides = [1, 1]} : vector<2048x128xf32> to vector<2048x64xf32>
    %transpose3A_19 = tpu.transpose %slice3A_18, [1, 0] : vector<2048x64xf32> -> vector<64x2048xf32>
    %concatenate3A_20 = tpu.concatenate %transpose3A_17, %transpose3A_19 in 1 : vector<64x2048xf32>, vector<64x2048xf32> -> vector<64x4096xf32>
    %swap3A_21 = arith.constant 1 : index
    %swap3A_22 = arith.constant 0 : index
    %swap3A_23 = arith.constant 0 : index
    %swap3A_24 = vector.load %arg2[%swap3A_21, %swap3A_22, %swap3A_23] : memref<5x64x4096xf32, #tpu.memory_space<vmem>>, vector<1x64x4096xf32>
    %swap3A_25 = vector.shape_cast %swap3A_24 : vector<1x64x4096xf32> to vector<64x4096xf32>
    %swap3A_26 = vector.shape_cast %concatenate3A_20 : vector<64x4096xf32> to vector<1x64x4096xf32>
    tpu.vector_store %arg2[%swap3A_21, %swap3A_22, %swap3A_23], %swap3A_26 {strides = array<i32>} : memref<5x64x4096xf32, #tpu.memory_space<vmem>>, vector<1x64x4096xf32>,
    %get3A_27 = arith.constant 2 : index
    %get3A_28 = arith.constant 0 : index
    %get3A_29 = arith.constant 0 : index
    %get3A_30 = vector.load %arg1[%get3A_27, %get3A_28, %get3A_29] : memref<5x2048x128xf32, #tpu.memory_space<vmem>>, vector<1x2048x128xf32>
    %get3A_31 = vector.shape_cast %get3A_30 : vector<1x2048x128xf32> to vector<2048x128xf32>
    %slice3A_32 = vector.extract_strided_slice %get3A_31 {offsets = [0, 0], sizes = [2048, 64], strides = [1, 1]} : vector<2048x128xf32> to vector<2048x64xf32>
    %transpose3A_33 = tpu.transpose %slice3A_32, [1, 0] : vector<2048x64xf32> -> vector<64x2048xf32>
    %slice3A_34 = vector.extract_strided_slice %get3A_31 {offsets = [0, 64], sizes = [2048, 64], strides = [1, 1]} : vector<2048x128xf32> to vector<2048x64xf32>
    %transpose3A_35 = tpu.transpose %slice3A_34, [1, 0] : vector<2048x64xf32> -> vector<64x2048xf32>
    %concatenate3A_36 = tpu.concatenate %transpose3A_33, %transpose3A_35 in 1 : vector<64x2048xf32>, vector<64x2048xf32> -> vector<64x4096xf32>
    %swap3A_37 = arith.constant 2 : index
    %swap3A_38 = arith.constant 0 : index
    %swap3A_39 = arith.constant 0 : index
    %swap3A_40 = vector.load %arg2[%swap3A_37, %swap3A_38, %swap3A_39] : memref<5x64x4096xf32, #tpu.memory_space<vmem>>, vector<1x64x4096xf32>
    %swap3A_41 = vector.shape_cast %swap3A_40 : vector<1x64x4096xf32> to vector<64x4096xf32>
    %swap3A_42 = vector.shape_cast %concatenate3A_36 : vector<64x4096xf32> to vector<1x64x4096xf32>
    tpu.vector_store %arg2[%swap3A_37, %swap3A_38, %swap3A_39], %swap3A_42 {strides = array<i32>} : memref<5x64x4096xf32, #tpu.memory_space<vmem>>, vector<1x64x4096xf32>,
    %get3A_43 = arith.constant 3 : index
    %get3A_44 = arith.constant 0 : index
    %get3A_45 = arith.constant 0 : index
    %get3A_46 = vector.load %arg1[%get3A_43, %get3A_44, %get3A_45] : memref<5x2048x128xf32, #tpu.memory_space<vmem>>, vector<1x2048x128xf32>
    %get3A_47 = vector.shape_cast %get3A_46 : vector<1x2048x128xf32> to vector<2048x128xf32>
    %slice3A_48 = vector.extract_strided_slice %get3A_47 {offsets = [0, 0], sizes = [2048, 64], strides = [1, 1]} : vector<2048x128xf32> to vector<2048x64xf32>
    %transpose3A_49 = tpu.transpose %slice3A_48, [1, 0] : vector<2048x64xf32> -> vector<64x2048xf32>
    %slice3A_50 = vector.extract_strided_slice %get3A_47 {offsets = [0, 64], sizes = [2048, 64], strides = [1, 1]} : vector<2048x128xf32> to vector<2048x64xf32>
    %transpose3A_51 = tpu.transpose %slice3A_50, [1, 0] : vector<2048x64xf32> -> vector<64x2048xf32>
    %concatenate3A_52 = tpu.concatenate %transpose3A_49, %transpose3A_51 in 1 : vector<64x2048xf32>, vector<64x2048xf32> -> vector<64x4096xf32>
    %swap3A_53 = arith.constant 3 : index
    %swap3A_54 = arith.constant 0 : index
    %swap3A_55 = arith.constant 0 : index
    %swap3A_56 = vector.load %arg2[%swap3A_53, %swap3A_54, %swap3A_55] : memref<5x64x4096xf32, #tpu.memory_space<vmem>>, vector<1x64x4096xf32>
    %swap3A_57 = vector.shape_cast %swap3A_56 : vector<1x64x4096xf32> to vector<64x4096xf32>
    %swap3A_58 = vector.shape_cast %concatenate3A_52 : vector<64x4096xf32> to vector<1x64x4096xf32>
    tpu.vector_store %arg2[%swap3A_53, %swap3A_54, %swap3A_55], %swap3A_58 {strides = array<i32>} : memref<5x64x4096xf32, #tpu.memory_space<vmem>>, vector<1x64x4096xf32>,
    %get3A_59 = arith.constant 4 : index
    %get3A_60 = arith.constant 0 : index
    %get3A_61 = arith.constant 0 : index
    %get3A_62 = vector.load %arg1[%get3A_59, %get3A_60, %get3A_61] : memref<5x2048x128xf32, #tpu.memory_space<vmem>>, vector<1x2048x128xf32>
    %get3A_63 = vector.shape_cast %get3A_62 : vector<1x2048x128xf32> to vector<2048x128xf32>
    %slice3A_64 = vector.extract_strided_slice %get3A_63 {offsets = [0, 0], sizes = [2048, 64], strides = [1, 1]} : vector<2048x128xf32> to vector<2048x64xf32>
    %transpose3A_65 = tpu.transpose %slice3A_64, [1, 0] : vector<2048x64xf32> -> vector<64x2048xf32>
    %slice3A_66 = vector.extract_strided_slice %get3A_63 {offsets = [0, 64], sizes = [2048, 64], strides = [1, 1]} : vector<2048x128xf32> to vector<2048x64xf32>
    %transpose3A_67 = tpu.transpose %slice3A_66, [1, 0] : vector<2048x64xf32> -> vector<64x2048xf32>
    %concatenate3A_68 = tpu.concatenate %transpose3A_65, %transpose3A_67 in 1 : vector<64x2048xf32>, vector<64x2048xf32> -> vector<64x4096xf32>
    %swap3A_69 = arith.constant 4 : index
    %swap3A_70 = arith.constant 0 : index
    %swap3A_71 = arith.constant 0 : index
    %swap3A_72 = vector.load %arg2[%swap3A_69, %swap3A_70, %swap3A_71] : memref<5x64x4096xf32, #tpu.memory_space<vmem>>, vector<1x64x4096xf32>
    %swap3A_73 = vector.shape_cast %swap3A_72 : vector<1x64x4096xf32> to vector<64x4096xf32>
    %swap3A_74 = vector.shape_cast %concatenate3A_68 : vector<64x4096xf32> to vector<1x64x4096xf32>
    tpu.vector_store %arg2[%swap3A_69, %swap3A_70, %swap3A_71], %swap3A_74 {strides = array<i32>} : memref<5x64x4096xf32, #tpu.memory_space<vmem>>, vector<1x64x4096xf32>,
    return
  }
  func.func @transform_0(%arg0: i32) -> (i32, i32, i32) {
    %c0_i32 = arith.constant 0 : i32
    %c0_i32_0 = arith.constant 0 : i32
    %c0_i32_1 = arith.constant 0 : i32
    return %arg0, %c0_i32, %c0_i32_0 : i32, i32, i32
  }
  func.func @transform_1(%arg0: i32) -> (i32, i32, i32) {
    %c0_i32 = arith.constant 0 : i32
    %c0_i32_0 = arith.constant 0 : i32
    %c0_i32_1 = arith.constant 0 : i32
    return %arg0, %c0_i32, %c0_i32_0 : i32, i32, i32
  }
}

</mosaic_0001>

<sc_bundles>
// kernel: kernel.5.cloned.1.call-start
scs
__scs_entry_jumppad:
0x0: {  	(pc) =	sbr.rel $0x88, $3  }
0x1: {  	(tag) =	ssettag $0x0;
	lr =	simm.s32 $0x1  }
0x2: {  	[smem:$0x3F9F] =	sst lr;
	_ =	strace $0xD0000000  }
0x3: {  	_ = 	snop  }
0x4: {  	_ = 	snop  }
0x5: {  	_ = 	snop  }
0x6: {  	_ = 	snop  }
0x7: {  	_ = 	snop  }
__scs_overlays_trampoline_lowered:
0x8: {  	[smem:$0x3FAE] =	sst s0  }
0x9: {  	[smem:$0x3FAF] =	sst s1  }
0xa: {  	[smem:$0x3FB0] =	sst s2  }
0xb: {  	[smem:$0x3FB1] =	sst s3  }
0xc: {  	[smem:$0x3FB2] =	sst s4  }
0xd: {  	[smem:$0x3FB3] =	sst s5  }
0xe: {  	[smem:$0x3FB4] =	sst s6  }
0xf: {  	[smem:$0x3FB5] =	sst s7  }
0x10: {  	[smem:$0x3FB6] =	sst s8  }
0x11: {  	[smem:$0x3FB7] =	sst s9;
	s0 =	simm.s32 @!p0 $0x0  }
0x12: {  	s1 =	sld [smem:$0x3F9D];
	s0 =	simm.s32 @p0 $0x1  }
0x13: {  	[smem:$0x3FB8] =	sst s0;
	s0 =	simm.s32 @!p1 $0x0  }
0x14: {  	s2 =	sld [smem:$0x3F9C];
	s0 =	simm.s32 @p1 $0x1  }
0x15: {  	[smem:$0x3FB9] =	sst s0;
	s0 =	simm.s32 @!p2 $0x0  }
0x16: {  	s3 =	sld [smem:$0x3FDB];
	s0 =	simm.s32 @p2 $0x1  }
0x17: {  	s4 =	simm.s32 $0x1BF5;
	[smem:$0x3FBB] =	sst s0  }
0x18: {  	s0 =	sld [smem:$0x3F9E];
	_ =	swait.ge [sflag:s4], $0x0  }
0x19: {  	s7 =	sld [smem:$0x3F9F]  }
0x1a: {  	s8 =	sadd.s32 $0xFFFFE003, lr  }
0x1b: {  	s9 =	sadd.s32 $0xFFFFFEF7, lr;
	s5 =	simm.s32 $0xFFFFFFFF;
	p2 =	slt.u32 s8, $0xFFFFF086  }
0x1c: {  	p1 =	slt.u32 s9, $0xF7A;
	s5 =	simm.s32 @!p2 $0x0  }
0x1d: {  	s5 =	simm.s32 @p1 $0x1;
	p0 =	seq.s32 s7, s2  }
0x1e: {  	s7 =	smul.u32 @!p0 $0xF7A, s2;
	p2 =	seq.s32 @!p0 s5, $0x0  }
0x1f: {  	s9 =	smul.u32 $0xF7A, s1;
	s8 =	simm.s32 @!p0 $0x1BF5;
	p2 =	por !p2, p0  }
0x20: {  	[sflag:s8] =	ssyncset.s32 @!p0 $0xFFFFF086;
	s6 =	sadd.s32 @!p0 s3, s7;
	s7 =	simm.s32 @!p0 $0x108  }
0x21: {  	s3 =	sadd.s32 s3, s9;
	s6 =	sadd.s32 @!p0 $0x88, s6;
	s7 =	simm.s32 @p2 $0x1082  }
0x22: {  	[simem:s7], [sflag:s8] =	dma.local @!p0 [hbm:s6], $0xF7A  }
0x23: {  	s9 =	sor.u32 $0xD0000000, s2;
	s6 =	simm.s32 $0x108;
	_ =	swait.ge @!p0 [sflag:s8], $0x0  }
0x24: {  	s3 =	sadd.s32 $0x88, s3;
	s6 =	simm.s32 @!p1 $0x1082;
	[sflag:s4] =	ssyncset.s32 $0xFFFFF086  }
0x25: {  	[simem:s6], [sflag:s4] =	dma.local [hbm:s3], $0xF7A  }
0x26: {  	[smem:$0x3F9F] =	sst s1;
	(tag) =	ssettag s2;
	_ =	strace s9  }
0x27: {  	s1 =	sld [smem:$0x3FAF]  }
0x28: {  	s2 =	sld [smem:$0x3FB0]  }
0x29: {  	s4 =	sld [smem:$0x3FB2]  }
0x2a: {  	p0 =	seq.s32 s5, $0x0;
	s5 =	sld [smem:$0x3FB3]  }
0x2b: {  	s6 =	sld [smem:$0x3FB4]  }
0x2c: {  	s7 =	sld [smem:$0x3FB5]  }
0x2d: {  	s3 =	simm.s32 $0x108;
	s8 =	sld [smem:$0x3FB6]  }
0x2e: {  	s3 =	simm.s32 @!p0 $0x1082;
	s9 =	sld [smem:$0x3FB7]  }
0x2f: {  	lr =	sadd.s32 s0, s3;
	s0 =	sld [smem:$0x3FAE]  }
0x30: {  	s3 =	sld [smem:$0x3FB1]  }
0x31: {  	[smem:$0x3FBA] =	sst s10  }
0x32: {  	s10 =	sld [smem:$0x3FB8];
	_ =	sdelay $0x3  }
0x33: {  	p0 =	seq.s32 s10, $0x1;
	s10 =	sld [smem:$0x3FBA];
	_ =	sdelay $0x3  }
0x34: {  	[smem:$0x3FBA] =	sst s10  }
0x35: {  	s10 =	sld [smem:$0x3FB9];
	_ =	sdelay $0x3  }
0x36: {  	p1 =	seq.s32 s10, $0x1;
	s10 =	sld [smem:$0x3FBA];
	_ =	sdelay $0x3  }
0x37: {  	[smem:$0x3FBA] =	sst s10  }
0x38: {  	s10 =	sld [smem:$0x3FBB]  }
0x39: {  	_ = 	snop;
	(pc) =	sbr.ind lr, $3  }
0x3a: {  	_ = 	snop  }
0x3b: {  	_ = 	snop  }
0x3c: {  	p2 =	seq.s32 s10, $0x1;
	s10 =	sld [smem:$0x3FBA]  }
0x3d: {  	_ =	shalt  }
0x3e: {  	_ =	shalt  }
0x3f: {  	_ =	shalt  }
0x40: {  	_ =	shalt  }
0x41: {  	_ =	shalt  }
0x42: {  	_ =	shalt  }
0x43: {  	_ =	shalt  }
0x44: {  	_ =	shalt  }
0x45: {  	_ =	shalt  }
0x46: {  	_ =	shalt  }
0x47: {  	_ =	shalt  }
0x48: {  	_ =	shalt  }
0x49: {  	_ =	shalt  }
0x4a: {  	_ =	shalt  }
0x4b: {  	_ =	shalt  }
0x4c: {  	_ =	shalt  }
0x4d: {  	_ =	shalt  }
0x4e: {  	_ =	shalt  }
0x4f: {  	_ =	shalt  }
0x50: {  	_ =	shalt  }
0x51: {  	_ =	shalt  }
0x52: {  	_ =	shalt  }
0x53: {  	_ =	shalt  }
0x54: {  	_ =	shalt  }
0x55: {  	_ =	shalt  }
0x56: {  	_ =	shalt  }
0x57: {  	_ =	shalt  }
0x58: {  	_ =	shalt  }
0x59: {  	_ =	shalt  }
0x5a: {  	_ =	shalt  }
0x5b: {  	_ =	shalt  }
0x5c: {  	_ =	shalt  }
0x5d: {  	_ =	shalt  }
0x5e: {  	_ =	shalt  }
0x5f: {  	_ =	shalt  }
0x60: {  	_ =	shalt  }
0x61: {  	_ =	shalt  }
0x62: {  	_ =	shalt  }
0x63: {  	_ =	shalt  }
0x64: {  	_ =	shalt  }
0x65: {  	_ =	shalt  }
0x66: {  	_ =	shalt  }
0x67: {  	_ =	shalt  }
0x68: {  	_ =	shalt  }
0x69: {  	_ =	shalt  }
0x6a: {  	_ =	shalt  }
0x6b: {  	_ =	shalt  }
0x6c: {  	_ =	shalt  }
0x6d: {  	_ =	shalt  }
0x6e: {  	_ =	shalt  }
0x6f: {  	_ =	shalt  }
0x70: {  	_ =	shalt  }
0x71: {  	_ =	shalt  }
0x72: {  	_ =	shalt  }
0x73: {  	_ =	shalt  }
0x74: {  	_ =	shalt  }
0x75: {  	_ =	shalt  }
0x76: {  	_ =	shalt  }
0x77: {  	_ =	shalt  }
0x78: {  	_ =	shalt  }
0x79: {  	_ =	shalt  }
0x7a: {  	_ =	shalt  }
0x7b: {  	_ =	shalt  }
0x7c: {  	_ =	shalt  }
0x7d: {  	_ =	shalt  }
0x7e: {  	_ =	shalt  }
0x7f: {  	_ =	shalt  }
0x80: {  	_ =	shalt  }
0x81: {  	_ =	shalt  }
0x82: {  	_ =	shalt  }
0x83: {  	_ =	shalt  }
0x84: {  	_ =	shalt  }
0x85: {  	_ =	shalt  }
0x86: {  	_ =	shalt  }
0x87: {  	_ =	shalt  }
.Lfunc_end0:
.L_simem_size_0:
called_computation_lowered:
.L_overlay_start_0:
0x88: {  	s2 =	sld [smem:$0x3FD9]  }
0x89: {  	s3 =	sld [smem:$0x3FFE];
	_ =	sdelay $0x1  }
0x8a: {  	s1 =	srdreg.scid  }
0x8b: {  	s0 =	sand.u32 $0x1, s1  }
0x8c: {  	s17 =	sshll.u32 s0, $0xA;
	s2 =	sadd.s32 s3, s2  }
0x8d: {  	s2 =	sadd.s32 s2, s17  }
0x8e: {  	[smem:$0x3FC6] =	sst s2  }
0x8f: {  	_ = 	snop  }
0x90: {  	s2 =	sld [smem:$0x3FD0];
	(tm) =	ssettm $0x1  }
0x91: {  	s18 =	sld [smem:$0x3FFB];
	_ =	sdelay $0x3  }
0x92: {  	_ =	strace s18  }
0x93: {  	s3 =	sld [smem:$0x3FFC];
	_ =	sdelay $0x3  }
0x94: {  	_ =	strace s3  }
0x95: {  	s3 =	sld [smem:$0x3FFD];
	_ =	sdelay $0x3  }
0x96: {  	_ =	strace s3  }
0x97: {  	_ =	strace $0x8FFFFFFF  }
0x98: {  	s19 =	sld [smem:$0x3FDB];
	_ =	sdelay $0x1  }
0x99: {  	s4 =	simm.s32 $_scs_section_size  }
0x9a: {  	s5 =	simm.s32 $_size__tile_overlayer_lowered;
	s6 =	simm.s32 $_tile_overlayer_lowered  }
0x9b: {  	s22 =	simm.s32 $0x1BFF;
	s21 =	sshll.u32 s6, $0x1;
	s3 =	sadd.s32 s4, s19  }
0x9c: {  	s7 =	simm.s32 $0x0;
	s20 =	sshll.u32 s5, $0x1;
	s5 =	sadd.s32 s21, s3  }
0x9d: {  	[timem:s7], [sflag:s22] =	dma.local [hbm:s5], s20  }
0x9e: {  	_ =	swait.ge [sflag:s22], s20  }
0x9f: {  	s4 =	ssub.s32 $0x0, s20;
	[sflag:s22] =	ssyncset.done $0x0  }
0xa0: {  	[sflag:s22] =	ssyncadd.s32 s4;
	_ =	sdelay $0x1  }
0xa1: {  	s23 =	simm.s32 $0x1B8B  }
0xa2: {  	_ =	swait.ge [sflag:s23], $0x1  }
0xa3: {  	[sflag:s23] =	ssyncset.done $0x0  }
0xa4: {  	s25 =	simm.s32 $0x1B8E;
	s24 =	sld [smem:$0x3FFE];
	[sflag:s23] =	ssyncadd.s32 $0xFFFFFFFF  }
0xa5: {  	s26 =	simm.s32 $execute0_lowered;
	[smem:$0x3FD2] =	sst s25  }
0xa6: {  	s5 =	sshll.u32 s26, $0x1;
	_ =	strace $0x80000046;
	[dreg:$0x1] =	wrdreg $0xFFFFFFFF  }
0xa7: {  	s28 =	simm.s32 $_size_execute0_lowered;
	s3 =	sadd.s32 s3, s5;
	[dreg:$0x0] =	wrdreg $0x0  }
0xa8: {  	s5 =	sshll.u32 s28, $0x1;
	[dreg:$0x2] =	wrdreg s3  }
0xa9: {  	[dreg:$0x3] =	wrdreg s5  }
0xaa: {  	[dreg:$0x4] =	wrdreg $0xC0  }
0xab: {  	_ =	task [dreg:s7], $0x5FFFF  }
0xac: {  	[dreg:$0x1] =	wrdreg $0xFFFFFFFF  }
0xad: {  	[dreg:$0x0] =	wrdreg $0x60  }
0xae: {  	[dreg:$0x2] =	wrdreg s2  }
0xaf: {  	[dreg:$0x3] =	wrdreg s24  }
0xb0: {  	[dreg:$0x4] =	wrdreg $0x9  }
0xb1: {  	_ =	task.clear_ibuf [dreg:s7], $0x5FFFF;
	_ =	strace $0x90000046  }
0xb2: {  	s29 =	simm.s32 $0x9;
	_ =	strace $0x80000048  }
0xb3: {  	_ =	swait.ge [sflag:s29], $0x1  }
0xb4: {  	[sflag:s29] =	ssyncadd.s32 $0xFFFFFFFF  }
0xb5: {  	_ =	strace $0x90000048  }
0xb6: {  	_ =	sfence  }
0xb7: {  	s30 =	sld [smem:$0x0];
	_ =	sdelay $0x2  }
0xb8: {  	s31 =	sshll.u32 s1, $0xD;
	s1 =	sshrl.u32 s1, $0x2  }
0xb9: {  	s3 =	sand.u32 $0x4000, s31;
	s1 =	sadd.s32 s1, s30  }
0xba: {  	s0 =	sor.u32 s3, s0;
	s1 =	sshll.u32 s1, $0x11  }
0xbb: {  	s0 =	sor.u32 s1, s0  }
0xbc: {  	s0 =	sadd.s32 $0x8F2B, s0  }
0xbd: {  	[sflag:s0] =	ssyncadd.remote.s32 $0x1  }
0xbe: {  	_ =	sfence.sel $0xFFFF  }
0xbf: {  	[dreg:$0x0] =	wrdreg $0xFFFFFFFF;
	(pc) =	sbr.abs _section_cstart, $3  }
0xc0: {  	[dreg:$0x1] =	wrdreg $0xFFFFFFFF  }
0xc1: {  	_ =	task.clear_ibuf [dreg:s7], $0x2FFFF;
	_ =	strace $0x9FFFFFFF  }
0xc2: {  	(tm) =	ssettm $0x7FFFFFFF  }
0xc3: {  	_ =	shalt  }
tec
execute0_lowered:
.L_overlay_start_1:
0x0: {  	(tag) =	ssettag $0x1  }
0x1: {  	s0 =	srdreg.scid  }
0x2: {  	s10 =	stileid.u32;
	s2 =	rddreg [dreg:$0x0]  }
0x3: {  	s3 =	rddreg [dreg:$0x1];
	s4 =	simm.s32 $0x0;
	s15 =	simm.s32 $0x100  }
0x4: {  	s16 =	simm.s32 $0x1900;
	s28 =	simm.s32 $0x2;
	s5 =	smul.u32 $0x190000, s10  }
0x5: {  	s29 =	simm.s32 $0x3;
	s30 =	simm.s32 $0x4;
	s7 =	smul.u32 $0x3200, s10  }
0x6: {  	s0 =	sand.u32 $0x1, s0;
	s1 =	sshll.u32 s10, $0x1;
	s10 =	smul.u32 $0xC8000, s10  }
0x7: {  	s31 =	simm.s32 $0x5;
	[smem:$0x7FF] =	sst s4;
	s6 =	smul.u32 $0xC8000, s0  }
0x8: {  	s4 =	sadd.s32 $0x6800, s3;
	s1 =	sor.u32 s0, s1;
	s9 =	smul.u32 $0x1900, s0  }
0x9: {  	_ =	strace $0x80000047;
	s8 =	ssub.s32 $0x2, s0;
	s0 =	smul.u32 $0x64000, s0  }
0xa: {  	s1 =	smul.u32 $0x1900, s1;
	s17 =	sshrl.u32 s8, $0x1;
	s20 =	sadd.s32 s6, s5  }
0xb: {  	s7 =	sadd.s32 s9, s7;
	s0 =	sadd.s32 s0, s10;
	[dreg:$0x5] =	wrdreg s20  }
0xc: {  	s1 =	sshrl.u32 s1, $0x3;
	s19 =	sadd.s32 $0x400, s7;
	[dreg:$0x7] =	wrdreg s0  }
0xd: {  	s21 =	sadd.s32 $0x300, s7;
	s22 =	sadd.s32 $0x200, s7;
	s23 =	sadd.s32 $0x100, s7  }
0xe: {  	s26 =	sshrl.u32 s7, $0x5;
	s20 =	simm.s32 $0xA;
	s1 =	sadd.s32 s1, s3  }
0xf: {  	s3 =	ssub.s32 s8, s17;
	s0 =	sshrl.u32 s21, $0x5;
	s24 =	sshrl.u32 s22, $0x5  }
0x10: {  	s25 =	sshrl.u32 s23, $0x5;
	[dreg:$0xb] =	wrdreg s26;
	s17 =	simm.s32 $0x5900  }
0x11: {  	s21 =	simm.s32 $0xD900;
	s23 =	simm.s32 $0x11900;
	s26 =	simm.s32 $0x80  }
0x12: {  	s22 =	simm.s32 $0x0;
	s1 =	sadd.s32 $0x400, s1;
	[dreg:$0x8] =	wrdreg s0  }
.Ltmp0:
0x13: {  	s18 =	smax.u32 s3, $0x1;
	[dreg:$0x9] =	wrdreg s24;
	(pc) =	sbr.rel .LBB2_1-.Ltmp0, $4  }
0x14: {  	[dreg:$0xa] =	wrdreg s25;
	s24 =	simm.s32 $0x1;
	s25 =	simm.s32 $0x40  }
0x15: {  	s0 =	simm.s32 $0x7;
	s3 =	simm.s32 $0x8;
	[dreg:$0x3] =	wrdreg s1  }
0x16: {  	[dreg:$0x4] =	wrdreg s18;
	s1 =	sshrl.u32 s19, $0x5;
	s19 =	simm.s32 $0x9900  }
0x17: {  	v0 =	vimm.s32 $0x0;
	s18 =	simm.s32 $0x9;
	[dreg:$0x6] =	wrdreg s1;
	s1 =	simm.s32 $0x6  }
.LBB2_6:
0x18: {  	_ =	swait.ge [sflag:s0], $0x4000  }
0x19: {  	[sflag:s0] =	ssyncset.done $0x0  }
0x1a: {  	[sflag:s0] =	ssyncadd.s32 $0xFFFFC000  }
0x1b: {  	_ =	swait.ge [sflag:s3], $0x4000  }
0x1c: {  	[sflag:s3] =	ssyncset.done $0x0  }
0x1d: {  	[sflag:s3] =	ssyncadd.s32 $0xFFFFC000  }
0x1e: {  	_ =	swait.ge [sflag:s18], $0x4000  }
0x1f: {  	[sflag:s18] =	ssyncset.done $0x0  }
0x20: {  	[sflag:s18] =	ssyncadd.s32 $0xFFFFC000  }
0x21: {  	_ =	swait.ge [sflag:s20], $0x4000  }
0x22: {  	s22 =	sadd.s32 $0x1, s22;
	s5 =	rddreg [dreg:$0x4]  }
0x23: {  	p0 =	sne.s32 s22, s5  }
.Ltmp1:
0x24: {  	_ = 	snop;
	(pc) =	sbr.rel @!p0 .LBB2_7-.Ltmp1, $3  }
0x25: {  	_ =	sdelay $0x1  }
0x26: {  	[sflag:s20] =	ssyncset.done $0x0  }
0x27: {  	[sflag:s20] =	ssyncadd.s32 $0xFFFFC000  }
.LBB2_1:
0x28: {  	s5 =	simm.s32 $0x0;
	s6 =	rddreg [dreg:$0x3];
	s14 =	simm.s32 $0xB  }
0x29: {  	[tilespmem:s5], [sflag:$0xB] =	stream.linear.gather [hbm4b:s6+s5], $0x1900, $0x38;
	[tilespmem:$0x15900] =	vst v63  }
0x2a: {  	_ =	swait.ge [sflag:s14], $0x1900  }
0x2b: {  	[sflag:s14] =	ssyncset.done $0x0  }
0x2c: {  	s7 =	simm.s32 $0x40;
	s5 =	simm.s32 $0x0;
	[sflag:s14] =	ssyncadd.s32 $0xFFFFE700  }
.LBB2_2:
0x2d: {  	p0 =	sne.s32 s7, $0x63C0;
	v1 =	vld [tilespmem:s5+$0x0];
	_ =	sdelay $0x3  }
.Ltmp2:
0x2e: {  	(pc) =	sbr.rel @p0 .LBB2_2-.Ltmp2, $4  }
0x2f: {  	vm0 =	vgt.s32 v1, $0xCFFF  }
0x30: {  	v1 =	vshll.u32 v1, $0x1;
	v2 =	vsel vm0, $0xFFFE6001, v0  }
0x31: {  	v1 =	vadd.s32 v1, v2  }
0x32: {  	[tilespmem:s5+$0x0] =	vst v1;
	s5 =	sshra.s32 s7, $0x2;
	s7 =	sadd.s32 $0x40, s7  }
0x33: {  	v1 =	vld [tilespmem:s5+$0x0];
	_ =	sdelay $0x4  }
0x34: {  	vm0 =	vgt.s32 v1, $0xCFFF  }
0x35: {  	s12 =	rddreg [dreg:$0xa];
	v1 =	vshll.u32 v1, $0x1;
	v2 =	vsel vm0, $0xFFFE6001, v0  }
0x36: {  	s11 =	rddreg [dreg:$0x9];
	v1 =	vadd.s32 v1, v2  }
0x37: {  	s10 =	rddreg [dreg:$0x8];
	[tilespmem:s5+$0x0] =	vst v1;
	s5 =	simm.s32 $0x0  }
0x38: {  	[tilespmem:s16], [sflag:$0x1] =	stream.indirect.gather [hbm4b:s2+s15], $0x40, s5, s15, $0xb8;
	[tilespmem:$0x15900] =	vst v63  }
0x39: {  	s9 =	rddreg [dreg:$0x7]  }
0x3a: {  	[tilespmem:s17], [sflag:$0x2] =	stream.indirect.gather [hbm4b:s2+s15], $0x40, s15, s15, $0xb8;
	[tilespmem:$0x15900] =	vst v63  }
0x3b: {  	s6 =	simm.s32 $0x200;
	s8 =	rddreg [dreg:$0x6]  }
0x3c: {  	[tilespmem:s19], [sflag:$0x3] =	stream.indirect.gather [hbm4b:s2+s15], $0x40, s6, s15, $0xb8;
	[tilespmem:$0x15900] =	vst v63  }
0x3d: {  	s13 =	simm.s32 $0x300;
	s7 =	rddreg [dreg:$0x5]  }
0x3e: {  	[tilespmem:s21], [sflag:$0x4] =	stream.indirect.gather [hbm4b:s2+s15], $0x40, s13, s15, $0xb8;
	[tilespmem:$0x15900] =	vst v63  }
0x3f: {  	s14 =	simm.s32 $0x400;
	s13 =	rddreg [dreg:$0xb]  }
0x40: {  	[tilespmem:s23], [sflag:$0x5] =	stream.indirect.gather [hbm4b:s2+s15], $0x40, s14, s15, $0xb8;
	[tilespmem:$0x15900] =	vst v63  }
.LBB2_4:
0x41: {  	s6 =	sand.u32 $0x7FFC0000, s9;
	s14 =	sand.u32 $0x38000, s7  }
0x42: {  	s6 =	sor.u32 s14, s6;
	s14 =	sand.u32 $0x40, s13  }
0x43: {  	_ =	swait.ge [sflag:s24], $0x4000;
	s6 =	sor.u32 s14, s6  }
0x44: {  	[sflag:s24] =	ssyncset.done $0x0;
	s6 =	sshrl.u32 s6, $0x3  }
0x45: {  	[sflag:s24] =	ssyncadd.s32 $0xFFFFC000;
	s6 =	sadd.s32 s4, s6  }
0x46: {  	[hbm4b:s6+s25] =	stream.strided.scatter [tilespmem:s16], [sflag:$0x6], $0x4000, s26, s25, $0x38;
	[tilespmem:$0x15900] =	vst v63  }
0x47: {  	s14 =	sadd.s32 $0x8000, s7;
	s6 =	sadd.s32 $0x4000, s9  }
0x48: {  	s14 =	sand.u32 $0x38000, s14;
	s6 =	sand.u32 $0x7FFC0000, s6  }
0x49: {  	s6 =	sor.u32 s14, s6;
	s14 =	sand.u32 $0x40, s12  }
0x4a: {  	_ =	swait.ge [sflag:s28], $0x4000;
	s6 =	sor.u32 s14, s6  }
0x4b: {  	[sflag:s28] =	ssyncset.done $0x0;
	s6 =	sshrl.u32 s6, $0x3  }
0x4c: {  	[sflag:s28] =	ssyncadd.s32 $0xFFFFC000;
	s6 =	sadd.s32 s4, s6  }
0x4d: {  	[hbm4b:s6+s25] =	stream.strided.scatter [tilespmem:s17], [sflag:$0x7], $0x4000, s26, s25, $0x38;
	[tilespmem:$0x15900] =	vst v63  }
0x4e: {  	s14 =	sadd.s32 $0x10000, s7;
	s6 =	sadd.s32 $0x8000, s9  }
0x4f: {  	s14 =	sand.u32 $0x38000, s14;
	s6 =	sand.u32 $0x7FFC0000, s6  }
0x50: {  	s6 =	sor.u32 s14, s6;
	s14 =	sand.u32 $0x40, s11  }
0x51: {  	_ =	swait.ge [sflag:s29], $0x4000;
	s6 =	sor.u32 s14, s6  }
0x52: {  	[sflag:s29] =	ssyncset.done $0x0;
	s6 =	sshrl.u32 s6, $0x3  }
0x53: {  	[sflag:s29] =	ssyncadd.s32 $0xFFFFC000;
	s6 =	sadd.s32 s4, s6  }
0x54: {  	[hbm4b:s6+s25] =	stream.strided.scatter [tilespmem:s19], [sflag:$0x8], $0x4000, s26, s25, $0x38;
	[tilespmem:$0x15900] =	vst v63  }
0x55: {  	s14 =	sadd.s32 $0x18000, s7;
	s6 =	sadd.s32 $0xC000, s9  }
0x56: {  	s14 =	sand.u32 $0x38000, s14;
	s6 =	sand.u32 $0x7FFC0000, s6  }
0x57: {  	s6 =	sor.u32 s14, s6;
	s14 =	sand.u32 $0x40, s10  }
0x58: {  	_ =	swait.ge [sflag:s30], $0x4000;
	s6 =	sor.u32 s14, s6  }
0x59: {  	[sflag:s30] =	ssyncset.done $0x0;
	s6 =	sshrl.u32 s6, $0x3  }
0x5a: {  	[sflag:s30] =	ssyncadd.s32 $0xFFFFC000;
	s6 =	sadd.s32 s4, s6  }
0x5b: {  	[hbm4b:s6+s25] =	stream.strided.scatter [tilespmem:s21], [sflag:$0x9], $0x4000, s26, s25, $0x38;
	[tilespmem:$0x15900] =	vst v63  }
0x5c: {  	s14 =	sadd.s32 $0x20000, s7;
	s6 =	sadd.s32 $0x10000, s9  }
0x5d: {  	s14 =	sand.u32 $0x38000, s14;
	s6 =	sand.u32 $0x7FFC0000, s6  }
0x5e: {  	s6 =	sor.u32 s14, s6;
	s14 =	sand.u32 $0x40, s8  }
0x5f: {  	_ =	swait.ge [sflag:s31], $0x4000;
	s6 =	sor.u32 s14, s6  }
0x60: {  	p0 =	seq.s32 s5, $0x5000;
	[sflag:s31] =	ssyncset.done $0x0;
	s6 =	sshrl.u32 s6, $0x3  }
.Ltmp3:
0x61: {  	[sflag:s31] =	ssyncadd.s32 $0xFFFFC000;
	s6 =	sadd.s32 s4, s6;
	(pc) =	sbr.rel @p0 .LBB2_6-.Ltmp3, $4  }
0x62: {  	[hbm4b:s6+s25] =	stream.strided.scatter [tilespmem:s23], [sflag:$0xA], $0x4000, s26, s25, $0x38;
	[tilespmem:$0x15900] =	vst v63  }
0x63: {  	_ =	swait.ge [sflag:s1], $0x4000  }
0x64: {  	[sflag:s1] =	ssyncset.done $0x0  }
0x65: {  	[sflag:s1] =	ssyncadd.s32 $0xFFFFC000  }
0x66: {  	s6 =	sshra.s32 s5, $0x2  }
0x67: {  	s14 =	sadd.s32 $0x500, s6  }
0x68: {  	[tilespmem:s16], [sflag:$0x1] =	stream.indirect.gather [hbm4b:s2+s15], $0x40, s14, s15, $0xb8;
	[tilespmem:$0x15900] =	vst v63  }
0x69: {  	_ =	swait.ge [sflag:s0], $0x4000  }
0x6a: {  	[sflag:s0] =	ssyncset.done $0x0  }
0x6b: {  	s14 =	sadd.s32 $0x600, s6;
	[sflag:s0] =	ssyncadd.s32 $0xFFFFC000  }
0x6c: {  	[tilespmem:s17], [sflag:$0x2] =	stream.indirect.gather [hbm4b:s2+s15], $0x40, s14, s15, $0xb8;
	[tilespmem:$0x15900] =	vst v63  }
0x6d: {  	_ =	swait.ge [sflag:s3], $0x4000  }
0x6e: {  	[sflag:s3] =	ssyncset.done $0x0  }
0x6f: {  	s14 =	sadd.s32 $0x700, s6;
	[sflag:s3] =	ssyncadd.s32 $0xFFFFC000  }
0x70: {  	[tilespmem:s19], [sflag:$0x3] =	stream.indirect.gather [hbm4b:s2+s15], $0x40, s14, s15, $0xb8;
	[tilespmem:$0x15900] =	vst v63  }
0x71: {  	_ =	swait.ge [sflag:s18], $0x4000  }
0x72: {  	[sflag:s18] =	ssyncset.done $0x0  }
0x73: {  	s5 =	sadd.s32 $0x1400, s5;
	s14 =	sadd.s32 $0x800, s6;
	[sflag:s18] =	ssyncadd.s32 $0xFFFFC000  }
0x74: {  	[tilespmem:s21], [sflag:$0x4] =	stream.indirect.gather [hbm4b:s2+s15], $0x40, s14, s15, $0xb8;
	[tilespmem:$0x15900] =	vst v63  }
.Ltmp4:
0x75: {  	s7 =	sadd.s32 $0x28000, s7;
	s8 =	sadd.s32 $0x28, s8;
	(pc) =	sbr.rel .LBB2_4-.Ltmp4, $4  }
0x76: {  	s9 =	sadd.s32 $0x14000, s9;
	s10 =	sadd.s32 $0x28, s10;
	_ =	swait.ge [sflag:s20], $0x4000  }
0x77: {  	s11 =	sadd.s32 $0x28, s11;
	s12 =	sadd.s32 $0x28, s12;
	[sflag:s20] =	ssyncset.done $0x0  }
0x78: {  	s13 =	sadd.s32 $0x28, s13;
	s6 =	sadd.s32 $0x900, s6;
	[sflag:s20] =	ssyncadd.s32 $0xFFFFC000  }
0x79: {  	[tilespmem:s23], [sflag:$0x5] =	stream.indirect.gather [hbm4b:s2+s15], $0x40, s6, s15, $0xb8;
	[tilespmem:$0x15900] =	vst v63  }
.LBB2_7:
0x7a: {  	_ =	sfence.sel $0x180000  }
0x7b: {  	[bflag:$0x0] =	sbarrier.arrive $0xFFFF  }
0x7c: {  	_ =	strace $0x90000047  }
0x7d: {  	s0 =	stileid.u32;
	[bflag:$0x2] =	sbarrier.arrive $0xFFFF  }
0x7e: {  	p0 =	sne.s32 s0, $0x0;
	s0 =	rddreg [dreg:$0x2]  }
0x7f: {  	s0 =	sadd.s32 @!p0 $0x100000, s0  }
0x80: {  	[sflag:s0] =	ssyncadd.tile.s32 @!p0 $0x1;
	_ =	shalt  }
.Lfunc_end2:
_tile_overlayer_lowered:
.L_overlay_start_2:
0x81: {  	(tag) =	ssettag $0x2  }
0x82: {  	s0 =	rddreg [dreg:$0x0];
	s2 =	stileid.u32  }
0x83: {  	s1 =	rddreg [dreg:$0x1];
	p0 =	sne.s32 s2, $0x0  }
0x84: {  	s3 =	rddreg [dreg:$0x2];
	[bflag:$0x3] =	sbarrier.arrive $0xFFFF;
	s2 =	simm.s32 @!p0 $0x1C0B  }
0x85: {  	[timem:s3], [sflag:s2] =	dma.local @!p0 [hbm:s0], s1  }
0x86: {  	s0 =	simm.s32 @!p0 $0xB  }
0x87: {  	_ =	swait.ge @!p0 [sflag:s0], s1  }
0x88: {  	s1 =	ssub.s32 @!p0 $0x0, s1;
	[sflag:s0] =	ssyncset.done @!p0 $0x0  }
0x89: {  	[sflag:s0] =	ssyncadd.s32 @!p0 s1  }
0x8a: {  	[bflag:$0x3] =	sbarrier.arrive $0xFFFF  }
0x8b: {  	_ =	shalt  }

</sc_bundles>
